<compile_context>
chip_gen: v7x
topology: tpu7x:2x2x1
jax: 0.10.2.dev20260603
libtpu: 0.0.44.dev20260713+nightly
codegen_flags: <defaults>
</compile_context>

<pallas_src>
import functools

import jax
import jax.numpy as jnp
from jax import lax
from jax.experimental import pallas as pl
from jax.experimental.pallas import tpu as pltpu
from jax.experimental.pallas import tpu_sc as plsc

N = 10000
D = 128
H = 128
E = 320000

BN = 1000
NW = 32
CA = 128
CHUNKS_A = E // CA
FULL_A = CHUNKS_A // NW
EXTRA_A = CHUNKS_A - FULL_A * NW
CB = 128
CHUNKS_B = E // CB
FULL_B = CHUNKS_B // NW
EXTRA_B = CHUNKS_B - FULL_B * NW
RPS = 624
TAIL = N - 16 * RPS
TAIL0 = 16 * RPS



def _tc1_body(x_ref, wn_ref, ws_ref, b1_ref, y_ref, xs_ref):
    x = x_ref[...]
    y_ref[...] = jnp.dot(x, wn_ref[...], preferred_element_type=jnp.float32)
    xs_ref[...] = (
        jnp.dot(x, ws_ref[...], preferred_element_type=jnp.float32) + b1_ref[...]
    )


def _tc1(x, W_neigh1, W_self1, b1):
    return pl.pallas_call(
        _tc1_body,
        grid=(N // BN,),
        in_specs=[
            pl.BlockSpec((BN, D), lambda i: (i, 0)),
            pl.BlockSpec((D, H), lambda i: (0, 0)),
            pl.BlockSpec((D, H), lambda i: (0, 0)),
            pl.BlockSpec((1, H), lambda i: (0, 0)),
        ],
        out_specs=[
            pl.BlockSpec((BN, H), lambda i: (i, 0)),
            pl.BlockSpec((BN, H), lambda i: (i, 0)),
        ],
        out_shape=[
            jax.ShapeDtypeStruct((N, H), jnp.float32),
            jax.ShapeDtypeStruct((N, H), jnp.float32),
        ],
    )(x, W_neigh1, W_self1, b1[None, :])


def _tc2_body(xs_ref, f0_ref, f1_ref, d0_ref, d1_ref, w2_ref, b2_ref, zs_ref):
    agg = f0_ref[...] + f1_ref[...]
    deg = jnp.maximum(d0_ref[:, 0:1] + d1_ref[:, 0:1], 1.0)
    h = jnp.maximum(xs_ref[...] + agg / deg, 0.0)
    pair = jnp.dot(h, w2_ref[...], preferred_element_type=jnp.float32) + b2_ref[...]
    cols = lax.broadcasted_iota(jnp.int32, (BN, 16), 1)
    z = pair[:, 0:1]
    s = pair[:, 1:2]
    zs_ref[...] = jnp.where(
        cols == 0, z, jnp.where(cols == 1, s, jnp.where(cols == 2, deg, 0.0))
    )


def _tc2(xs, f0, f1, d0, d1, W2, b2v):
    return pl.pallas_call(
        _tc2_body,
        grid=(N // BN,),
        in_specs=[
            pl.BlockSpec((BN, H), lambda i: (i, 0)),
            pl.BlockSpec((BN, H), lambda i: (i, 0)),
            pl.BlockSpec((BN, H), lambda i: (i, 0)),
            pl.BlockSpec((BN, 16), lambda i: (i, 0)),
            pl.BlockSpec((BN, 16), lambda i: (i, 0)),
            pl.BlockSpec((H, 2), lambda i: (0, 0)),
            pl.BlockSpec((1, 2), lambda i: (0, 0)),
        ],
        out_specs=pl.BlockSpec((BN, 16), lambda i: (i, 0)),
        out_shape=jax.ShapeDtypeStruct((N, 16), jnp.float32),
    )(xs, f0, f1, d0, d1, W2, b2v)


def _tc3_body(zs_ref, a0_ref, a1_ref, o_ref):
    zagg = a0_ref[:, 0:1] + a1_ref[:, 0:1]
    s = zs_ref[:, 1:2]
    deg = zs_ref[:, 2:3]
    o_ref[...] = jax.nn.sigmoid(s + zagg / deg)


def _tc3(zs, a0, a1):
    return pl.pallas_call(
        _tc3_body,
        grid=(N // BN,),
        in_specs=[
            pl.BlockSpec((BN, 16), lambda i: (i, 0)),
            pl.BlockSpec((BN, 16), lambda i: (i, 0)),
            pl.BlockSpec((BN, 16), lambda i: (i, 0)),
        ],
        out_specs=pl.BlockSpec((BN, 1), lambda i: (i, 0)),
        out_shape=jax.ShapeDtypeStruct((N, 1), jnp.float32),
    )(zs, a0, a1)



def _sc_agg_wide(y, src2d, dst2d, zeros128, zeros16, ones16):
    mesh = plsc.VectorSubcoreMesh(core_axis_name="c", subcore_axis_name="s")
    NBUF = 2
    K = NBUF - 1
    GROUPS = FULL_A // NBUF

    @functools.partial(
        pl.kernel,
        out_type=[
            jax.ShapeDtypeStruct((2, N, D), jnp.float32),
            jax.ShapeDtypeStruct((2, N, 16), jnp.float32),
        ],
        mesh=mesh,
        scratch_types=[
            [pltpu.VMEM((CA,), jnp.int32)] * NBUF,
            [pltpu.VMEM((CA,), jnp.int32)] * NBUF,
            [pltpu.VMEM((CA, D), jnp.float32)] * NBUF,
            pltpu.VMEM((CA, 16), jnp.float32),
            pltpu.VMEM_SHARED((N, D), jnp.float32),
            pltpu.VMEM_SHARED((N, 16), jnp.float32),
            [pltpu.SemaphoreType.DMA] * NBUF,
            [pltpu.SemaphoreType.DMA] * NBUF,
            [pltpu.SemaphoreType.DMA] * NBUF,
            [pltpu.SemaphoreType.DMA] * NBUF,
        ],
        compiler_params=pltpu.CompilerParams(use_tc_tiling_on_sc=False),
    )
    def k(y_hbm, src_hbm, dst_hbm, z128_hbm, z16_hbm, ones_hbm, feat_hbm, deg_hbm,
          srcs, dsts, rows, ones_v, acc_y, acc_d, isem, gsem, ssem, osem):
        c = lax.axis_index("c")
        s = lax.axis_index("s")
        w = s * 2 + c
        r0 = pl.multiple_of(s * RPS, 8)

        pltpu.sync_copy(z128_hbm.at[pl.ds(r0, RPS)], acc_y.at[pl.ds(r0, RPS)])
        pltpu.sync_copy(z16_hbm.at[pl.ds(r0, RPS)], acc_d.at[pl.ds(r0, RPS)])

        @pl.when(s == 15)
        def _():
            pltpu.sync_copy(z128_hbm.at[pl.ds(TAIL0, TAIL)],
                            acc_y.at[pl.ds(TAIL0, TAIL)])
            pltpu.sync_copy(z16_hbm.at[pl.ds(TAIL0, TAIL)],
                            acc_d.at[pl.ds(TAIL0, TAIL)])

        pltpu.sync_copy(ones_hbm, ones_v)
        plsc.subcore_barrier()

        c0 = w * FULL_A

        for j in range(K):
            pltpu.sync_copy(src_hbm.at[c0 + j], srcs[j])
            pltpu.sync_copy(dst_hbm.at[c0 + j], dsts[j])
            pltpu.async_copy(y_hbm.at[srcs[j]], rows[j], gsem[j])
        pltpu.async_copy(src_hbm.at[c0 + K], srcs[K], isem[K])
        pltpu.async_copy(dst_hbm.at[c0 + K], dsts[K], isem[K])

        def group(g, carry):
            for b in range(NBUF):
                i = g * NBUF + b
                bj = (b + K) % NBUF

                @pl.when(i + K < FULL_A)
                def _():
                    pltpu.make_async_copy(src_hbm.at[0], srcs[bj],
                                          isem[bj]).wait()
                    pltpu.make_async_copy(dst_hbm.at[0], dsts[bj],
                                          isem[bj]).wait()
                    pltpu.async_copy(y_hbm.at[srcs[bj]], rows[bj], gsem[bj])

                pltpu.make_async_copy(y_hbm.at[srcs[b]], rows[b],
                                      gsem[b]).wait()
                pltpu.async_copy(rows[b], acc_y.at[dsts[b]], ssem[b],
                                 add=True)
                pltpu.async_copy(ones_v, acc_d.at[dsts[b]], osem[b],
                                 add=True)
                pltpu.make_async_copy(rows[b], acc_y.at[dsts[b]],
                                      ssem[b]).wait()
                pltpu.make_async_copy(ones_v, acc_d.at[dsts[b]],
                                      osem[b]).wait()

                @pl.when(i + NBUF < FULL_A)
                def _():
                    pltpu.async_copy(src_hbm.at[c0 + i + NBUF], srcs[b],
                                     isem[b])
                    pltpu.async_copy(dst_hbm.at[c0 + i + NBUF], dsts[b],
                                     isem[b])
            return carry

        lax.fori_loop(0, GROUPS, group, 0)

        @pl.when(w < EXTRA_A)
        def _():
            xc = NW * FULL_A + w
            pltpu.sync_copy(src_hbm.at[xc], srcs[0])
            pltpu.sync_copy(dst_hbm.at[xc], dsts[0])
            pltpu.async_copy(y_hbm.at[srcs[0]], rows[0], gsem[0]).wait()
            pltpu.sync_copy(rows[0], acc_y.at[dsts[0]], add=True)
            pltpu.sync_copy(ones_v, acc_d.at[dsts[0]], add=True)

        plsc.subcore_barrier()
        pltpu.sync_copy(acc_y.at[pl.ds(r0, RPS)], feat_hbm.at[c, pl.ds(r0, RPS)])
        pltpu.sync_copy(acc_d.at[pl.ds(r0, RPS)], deg_hbm.at[c, pl.ds(r0, RPS)])

        @pl.when(s == 15)
        def _():
            pltpu.sync_copy(acc_y.at[pl.ds(TAIL0, TAIL)],
                            feat_hbm.at[c, pl.ds(TAIL0, TAIL)])
            pltpu.sync_copy(acc_d.at[pl.ds(TAIL0, TAIL)],
                            deg_hbm.at[c, pl.ds(TAIL0, TAIL)])

    return k(y, src2d, dst2d, zeros128, zeros16, ones16)


def _sc_agg_narrow(zs, src2d, dst2d, zeros16):
    mesh = plsc.VectorSubcoreMesh(core_axis_name="c", subcore_axis_name="s")
    NBUF = 6
    GROUPS = FULL_B // NBUF

    @functools.partial(
        pl.kernel,
        out_type=jax.ShapeDtypeStruct((2, N, 16), jnp.float32),
        mesh=mesh,
        scratch_types=[
            pltpu.VMEM((FULL_B, CB), jnp.int32),
            pltpu.VMEM((FULL_B, CB), jnp.int32),
            pltpu.VMEM((CB,), jnp.int32),
            pltpu.VMEM((CB,), jnp.int32),
            [pltpu.VMEM((CB, 16), jnp.float32)] * NBUF,
            pltpu.VMEM_SHARED((N, 16), jnp.float32),
            [pltpu.SemaphoreType.DMA] * NBUF,
            [pltpu.SemaphoreType.DMA] * NBUF,
            pltpu.SemaphoreType.DMA,
        ],
        compiler_params=pltpu.CompilerParams(use_tc_tiling_on_sc=False),
    )
    def k(zs_hbm, src_hbm, dst_hbm, z16_hbm, out_hbm,
          src_v, dst_v, srcx_v, dstx_v, rows, acc, gsem, ssem, sem):
        c = lax.axis_index("c")
        s = lax.axis_index("s")
        w = s * 2 + c
        r0 = pl.multiple_of(s * RPS, 8)

        pltpu.sync_copy(z16_hbm.at[pl.ds(r0, RPS)], acc.at[pl.ds(r0, RPS)])

        @pl.when(s == 15)
        def _():
            pltpu.sync_copy(z16_hbm.at[pl.ds(TAIL0, TAIL)],
                            acc.at[pl.ds(TAIL0, TAIL)])

        c0 = w * FULL_B
        pltpu.sync_copy(src_hbm.at[pl.ds(c0, FULL_B)], src_v)
        pltpu.sync_copy(dst_hbm.at[pl.ds(c0, FULL_B)], dst_v)
        plsc.subcore_barrier()

        for b in range(NBUF):
            pltpu.async_copy(zs_hbm.at[src_v.at[b]], rows[b], gsem[b])

        def group(g, carry):
            for b in range(NBUF):
                i = g * NBUF + b
                pltpu.make_async_copy(zs_hbm.at[src_v.at[b]], rows[b],
                                      gsem[b]).wait()
                pltpu.async_copy(rows[b], acc.at[dst_v.at[i]], ssem[b],
                                 add=True)
                pltpu.make_async_copy(rows[b], acc.at[dst_v.at[i]],
                                      ssem[b]).wait()

                @pl.when(i + NBUF < FULL_B)
                def _():
                    pltpu.async_copy(zs_hbm.at[src_v.at[i + NBUF]], rows[b],
                                     gsem[b])
            return carry

        lax.fori_loop(0, GROUPS, group, 0)

        @pl.when(w < EXTRA_B)
        def _():
            xc = NW * FULL_B + w
            pltpu.sync_copy(src_hbm.at[xc], srcx_v)
            pltpu.sync_copy(dst_hbm.at[xc], dstx_v)
            pltpu.async_copy(zs_hbm.at[srcx_v], rows[0], sem).wait()
            pltpu.sync_copy(rows[0], acc.at[dstx_v], add=True)

        plsc.subcore_barrier()
        pltpu.sync_copy(acc.at[pl.ds(r0, RPS)], out_hbm.at[c, pl.ds(r0, RPS)])

        @pl.when(s == 15)
        def _():
            pltpu.sync_copy(acc.at[pl.ds(TAIL0, TAIL)],
                            out_hbm.at[c, pl.ds(TAIL0, TAIL)])

    return k(zs, src2d, dst2d, zeros16)



def kernel(x, edge_index, W_self1, W_neigh1, b1, W_self2, W_neigh2, b2):
    srcA = edge_index[0].reshape(CHUNKS_A, CA)
    dstA = edge_index[1].reshape(CHUNKS_A, CA)
    srcB = edge_index[0].reshape(CHUNKS_B, CB)
    dstB = edge_index[1].reshape(CHUNKS_B, CB)

    y, xs = _tc1(x, W_neigh1, W_self1, b1)

    zeros128 = jnp.zeros((N, D), jnp.float32)
    zeros16 = jnp.zeros((N, 16), jnp.float32)
    ones16 = jnp.ones((CA, 16), jnp.float32)

    feat, deg = _sc_agg_wide(y, srcA, dstA, zeros128, zeros16, ones16)

    W2 = jnp.concatenate([W_neigh2, W_self2], axis=1)
    b2v = jnp.concatenate([jnp.zeros((1,), jnp.float32), b2])[None, :]
    zs = _tc2(xs, feat[0], feat[1], deg[0], deg[1], W2, b2v)

    accB = _sc_agg_narrow(zs, srcB, dstB, zeros16)

    return _tc3(zs, accB[0], accB[1])

# --- scband reference (transcript-rebuilt; emitter-appended) ---
"""Pipeline reference for scband-graph-sagemodel-58798102282554 (READ-ONLY COPY).

The authoritative reference and input builder live on the scoring server;
editing this copy changes nothing except your own understanding.
"""

import jax, jax.numpy as jnp
import numpy as np

N = 10000
E = 320000
D = 128
H = 128
O = 1


def sage_conv(x, edge_index, W_self, W_neigh, b, num_nodes):
    # PyG-style SAGEConv with mean aggregation:
    # out = x @ W_self + mean_{j in N(i)} x_j @ W_neigh + b
    src = edge_index[0]
    dst = edge_index[1]
    msgs = jnp.take(x, src, axis=0)                                  # gather  [E, d]
    agg = jax.ops.segment_sum(msgs, dst, num_segments=num_nodes)     # scatter-add [N, d]
    deg = jax.ops.segment_sum(jnp.ones((src.shape[0],), x.dtype), dst, num_segments=num_nodes)
    mean = agg / jnp.clip(deg, 1.0, None)[:, None]
    return x @ W_self + mean @ W_neigh + b


def setup_inputs(seed: int = 0) -> dict:
    key = jax.random.key(seed)
    ks = jax.random.split(key, 9)
    x = jax.random.normal(ks[0], (N, D), dtype=jnp.float32)
    edge_index = jax.random.randint(ks[1], (2, E), 0, N, dtype=jnp.int32)
    s1 = 1.0 / np.sqrt(D)
    s2 = 1.0 / np.sqrt(H)
    W_self1 = jax.random.uniform(ks[2], (D, H), jnp.float32, -s1, s1)
    W_neigh1 = jax.random.uniform(ks[3], (D, H), jnp.float32, -s1, s1)
    b1 = jax.random.uniform(ks[4], (H,), jnp.float32, -s1, s1)
    W_self2 = jax.random.uniform(ks[5], (H, O), jnp.float32, -s2, s2)
    W_neigh2 = jax.random.uniform(ks[6], (H, O), jnp.float32, -s2, s2)
    b2 = jax.random.uniform(ks[7], (O,), jnp.float32, -s2, s2)
    return {
        "x": x,
        "edge_index": edge_index,
        "W_self1": W_self1,
        "W_neigh1": W_neigh1,
        "b1": b1,
        "W_self2": W_self2,
        "W_neigh2": W_neigh2,
        "b2": b2,
    }


def reference(x, edge_index, W_self1, W_neigh1, b1, W_self2, W_neigh2, b2):
    h = sage_conv(x, edge_index, W_self1, W_neigh1, b1, N)
    h = jax.nn.relu(h)
    # dropout p=0.0 / eval mode -> identity
    out = sage_conv(h, edge_index, W_self2, W_neigh2, b2, N)
    return jax.nn.sigmoid(out)

if __name__ == "__main__":
    import jax
    _d = setup_inputs()
    print(jax.jit(kernel)(*tuple(_d.values())))

</pallas_src>

<mosaic_0001>
#map = affine_map<(d0, d1) -> (0, 0)>
#map1 = affine_map<(d0, d1) -> (0, 0, 0)>
module attributes {stable_mosaic.version = 14 : i64} {
  func.func @k(%arg0: i32, %arg1: i32, %arg2: memref<10000x128xf32, #tpu.memory_space<hbm>>, %arg3: memref<2500x128xi32, #tpu.memory_space<hbm>>, %arg4: memref<2500x128xi32, #tpu.memory_space<hbm>>, %arg5: memref<10000x128xf32, #tpu.memory_space<hbm>>, %arg6: memref<10000x16xf32, #tpu.memory_space<hbm>>, %arg7: memref<128x16xf32, #tpu.memory_space<hbm>>, %arg8: memref<2x10000x128xf32, #tpu.memory_space<hbm>>, %arg9: memref<2x10000x16xf32, #tpu.memory_space<hbm>>, %arg10: memref<128xi32, #tpu.memory_space<vmem>>, %arg11: memref<128xi32, #tpu.memory_space<vmem>>, %arg12: memref<128xi32, #tpu.memory_space<vmem>>, %arg13: memref<128xi32, #tpu.memory_space<vmem>>, %arg14: memref<128x128xf32, #tpu.memory_space<vmem>>, %arg15: memref<128x128xf32, #tpu.memory_space<vmem>>, %arg16: memref<128x16xf32, #tpu.memory_space<vmem>>, %arg17: memref<10000x128xf32, #tpu.memory_space<vmem_shared>>, %arg18: memref<10000x16xf32, #tpu.memory_space<vmem_shared>>, %arg19: memref<!tpu.dma_semaphore, #tpu.memory_space<semaphore_mem>>, %arg20: memref<!tpu.dma_semaphore, #tpu.memory_space<semaphore_mem>>, %arg21: memref<!tpu.dma_semaphore, #tpu.memory_space<semaphore_mem>>, %arg22: memref<!tpu.dma_semaphore, #tpu.memory_space<semaphore_mem>>, %arg23: memref<!tpu.dma_semaphore, #tpu.memory_space<semaphore_mem>>, %arg24: memref<!tpu.dma_semaphore, #tpu.memory_space<semaphore_mem>>, %arg25: memref<!tpu.dma_semaphore, #tpu.memory_space<semaphore_mem>>, %arg26: memref<!tpu.dma_semaphore, #tpu.memory_space<semaphore_mem>>) attributes {dimension_semantics = [#tpu.dimension_semantics<core_parallel>, #tpu.dimension_semantics<subcore_parallel>], iteration_bounds = array<i64: 2, 16>, scalar_prefetch = 0 : i64, scratch_operands = 17 : i64, tpu.core_type = #tpu.core_type<sc_vector_subcore>, window_params = [{transform_indices = #map}, {transform_indices = #map}, {transform_indices = #map}, {transform_indices = #map}, {transform_indices = #map}, {transform_indices = #map}, {transform_indices = #map1}, {transform_indices = #map1}]} {
    %mul3A = arith.constant 2 : i32
    %mul3A_0 = arith.muli %arg1, %mul3A : i32
    %add3A = arith.addi %mul3A_0, %arg0 : i32
    %mul3A_1 = arith.constant 624 : i32
    %mul3A_2 = arith.muli %arg1, %mul3A_1 : i32
    %multiple_of3A = tpu.assume_multiple %mul3A_2, 8 : i32
    "tpu.region"() ({
      %run_scoped3A = tpu.sem_alloc : memref<!tpu.dma_semaphore, #tpu.memory_space<semaphore_mem>>
      %dma_start3A_44 = arith.constant 0 : i32
      %dma_start3A_45 = tpu.memref_slice %arg17[%multiple_of3A, %dma_start3A_44] : memref<10000x128xf32, #tpu.memory_space<vmem_shared>> -> memref<624x128xf32, #tpu.memory_space<vmem_shared>>
      %dma_start3A_46 = arith.constant 0 : i32
      %dma_start3A_47 = tpu.memref_slice %arg5[%multiple_of3A, %dma_start3A_46] : memref<10000x128xf32, #tpu.memory_space<hbm>> -> memref<624x128xf32, #tpu.memory_space<hbm>>
      tpu.enqueue_dma source(%dma_start3A_47 : memref<624x128xf32, #tpu.memory_space<hbm>>) target(%dma_start3A_45 : memref<624x128xf32, #tpu.memory_space<vmem_shared>>) target_semaphore(%run_scoped3A : memref<!tpu.dma_semaphore, #tpu.memory_space<semaphore_mem>>)
      %dma_wait3A = arith.constant 0 : i32
      %dma_wait3A_48 = tpu.memref_slice %arg17[%multiple_of3A, %dma_wait3A] : memref<10000x128xf32, #tpu.memory_space<vmem_shared>> -> memref<624x128xf32, #tpu.memory_space<vmem_shared>>
      %dma_wait3A_49 = arith.constant 0 : i32
      %dma_wait3A_50 = tpu.memref_slice %arg5[%multiple_of3A, %dma_wait3A_49] : memref<10000x128xf32, #tpu.memory_space<hbm>> -> memref<624x128xf32, #tpu.memory_space<hbm>>
      tpu.wait_dma2 semaphore(%run_scoped3A : memref<!tpu.dma_semaphore, #tpu.memory_space<semaphore_mem>>) src(%dma_wait3A_50 : memref<624x128xf32, #tpu.memory_space<hbm>>) dst(%dma_wait3A_48 : memref<624x128xf32, #tpu.memory_space<vmem_shared>>)
      tpu.yield
    }) : () -> ()
    "tpu.region"() ({
      %run_scoped3A = tpu.sem_alloc : memref<!tpu.dma_semaphore, #tpu.memory_space<semaphore_mem>>
      %dma_start3A_44 = arith.constant 0 : i32
      %dma_start3A_45 = tpu.memref_slice %arg18[%multiple_of3A, %dma_start3A_44] : memref<10000x16xf32, #tpu.memory_space<vmem_shared>> -> memref<624x16xf32, #tpu.memory_space<vmem_shared>>
      %dma_start3A_46 = arith.constant 0 : i32
      %dma_start3A_47 = tpu.memref_slice %arg6[%multiple_of3A, %dma_start3A_46] : memref<10000x16xf32, #tpu.memory_space<hbm>> -> memref<624x16xf32, #tpu.memory_space<hbm>>
      tpu.enqueue_dma source(%dma_start3A_47 : memref<624x16xf32, #tpu.memory_space<hbm>>) target(%dma_start3A_45 : memref<624x16xf32, #tpu.memory_space<vmem_shared>>) target_semaphore(%run_scoped3A : memref<!tpu.dma_semaphore, #tpu.memory_space<semaphore_mem>>)
      %dma_wait3A = arith.constant 0 : i32
      %dma_wait3A_48 = tpu.memref_slice %arg18[%multiple_of3A, %dma_wait3A] : memref<10000x16xf32, #tpu.memory_space<vmem_shared>> -> memref<624x16xf32, #tpu.memory_space<vmem_shared>>
      %dma_wait3A_49 = arith.constant 0 : i32
      %dma_wait3A_50 = tpu.memref_slice %arg6[%multiple_of3A, %dma_wait3A_49] : memref<10000x16xf32, #tpu.memory_space<hbm>> -> memref<624x16xf32, #tpu.memory_space<hbm>>
      tpu.wait_dma2 semaphore(%run_scoped3A : memref<!tpu.dma_semaphore, #tpu.memory_space<semaphore_mem>>) src(%dma_wait3A_50 : memref<624x16xf32, #tpu.memory_space<hbm>>) dst(%dma_wait3A_48 : memref<624x16xf32, #tpu.memory_space<vmem_shared>>)
      tpu.yield
    }) : () -> ()
    %eq3A = arith.constant 15 : i32
    %eq3A_3 = arith.cmpi eq, %arg1, %eq3A : i32
    %convert_element_type3A = arith.extui %eq3A_3 : i1 to i32
    %cond3A = arith.constant 0 : i32
    %cond3A_4 = arith.cmpi ne, %convert_element_type3A, %cond3A : i32
    scf.if %cond3A_4 {
      "tpu.region"() ({
        %run_scoped3A = tpu.sem_alloc : memref<!tpu.dma_semaphore, #tpu.memory_space<semaphore_mem>>
        %dma_start3A_44 = arith.constant 9984 : i32
        %dma_start3A_45 = arith.constant 0 : i32
        %dma_start3A_46 = tpu.memref_slice %arg17[%dma_start3A_44, %dma_start3A_45] : memref<10000x128xf32, #tpu.memory_space<vmem_shared>> -> memref<16x128xf32, #tpu.memory_space<vmem_shared>>
        %dma_start3A_47 = arith.constant 9984 : i32
        %dma_start3A_48 = arith.constant 0 : i32
        %dma_start3A_49 = tpu.memref_slice %arg5[%dma_start3A_47, %dma_start3A_48] : memref<10000x128xf32, #tpu.memory_space<hbm>> -> memref<16x128xf32, #tpu.memory_space<hbm>>
        tpu.enqueue_dma source(%dma_start3A_49 : memref<16x128xf32, #tpu.memory_space<hbm>>) target(%dma_start3A_46 : memref<16x128xf32, #tpu.memory_space<vmem_shared>>) target_semaphore(%run_scoped3A : memref<!tpu.dma_semaphore, #tpu.memory_space<semaphore_mem>>)
        %dma_wait3A = arith.constant 9984 : i32
        %dma_wait3A_50 = arith.constant 0 : i32
        %dma_wait3A_51 = tpu.memref_slice %arg17[%dma_wait3A, %dma_wait3A_50] : memref<10000x128xf32, #tpu.memory_space<vmem_shared>> -> memref<16x128xf32, #tpu.memory_space<vmem_shared>>
        %dma_wait3A_52 = arith.constant 9984 : i32
        %dma_wait3A_53 = arith.constant 0 : i32
        %dma_wait3A_54 = tpu.memref_slice %arg5[%dma_wait3A_52, %dma_wait3A_53] : memref<10000x128xf32, #tpu.memory_space<hbm>> -> memref<16x128xf32, #tpu.memory_space<hbm>>
        tpu.wait_dma2 semaphore(%run_scoped3A : memref<!tpu.dma_semaphore, #tpu.memory_space<semaphore_mem>>) src(%dma_wait3A_54 : memref<16x128xf32, #tpu.memory_space<hbm>>) dst(%dma_wait3A_51 : memref<16x128xf32, #tpu.memory_space<vmem_shared>>)
        tpu.yield
      }) : () -> ()
      "tpu.region"() ({
        %run_scoped3A = tpu.sem_alloc : memref<!tpu.dma_semaphore, #tpu.memory_space<semaphore_mem>>
        %dma_start3A_44 = arith.constant 9984 : i32
        %dma_start3A_45 = arith.constant 0 : i32
        %dma_start3A_46 = tpu.memref_slice %arg18[%dma_start3A_44, %dma_start3A_45] : memref<10000x16xf32, #tpu.memory_space<vmem_shared>> -> memref<16x16xf32, #tpu.memory_space<vmem_shared>>
        %dma_start3A_47 = arith.constant 9984 : i32
        %dma_start3A_48 = arith.constant 0 : i32
        %dma_start3A_49 = tpu.memref_slice %arg6[%dma_start3A_47, %dma_start3A_48] : memref<10000x16xf32, #tpu.memory_space<hbm>> -> memref<16x16xf32, #tpu.memory_space<hbm>>
        tpu.enqueue_dma source(%dma_start3A_49 : memref<16x16xf32, #tpu.memory_space<hbm>>) target(%dma_start3A_46 : memref<16x16xf32, #tpu.memory_space<vmem_shared>>) target_semaphore(%run_scoped3A : memref<!tpu.dma_semaphore, #tpu.memory_space<semaphore_mem>>)
        %dma_wait3A = arith.constant 9984 : i32
        %dma_wait3A_50 = arith.constant 0 : i32
        %dma_wait3A_51 = tpu.memref_slice %arg18[%dma_wait3A, %dma_wait3A_50] : memref<10000x16xf32, #tpu.memory_space<vmem_shared>> -> memref<16x16xf32, #tpu.memory_space<vmem_shared>>
        %dma_wait3A_52 = arith.constant 9984 : i32
        %dma_wait3A_53 = arith.constant 0 : i32
        %dma_wait3A_54 = tpu.memref_slice %arg6[%dma_wait3A_52, %dma_wait3A_53] : memref<10000x16xf32, #tpu.memory_space<hbm>> -> memref<16x16xf32, #tpu.memory_space<hbm>>
        tpu.wait_dma2 semaphore(%run_scoped3A : memref<!tpu.dma_semaphore, #tpu.memory_space<semaphore_mem>>) src(%dma_wait3A_54 : memref<16x16xf32, #tpu.memory_space<hbm>>) dst(%dma_wait3A_51 : memref<16x16xf32, #tpu.memory_space<vmem_shared>>)
        tpu.yield
      }) : () -> ()
    } else {
    }
    "tpu.region"() ({
      %run_scoped3A = tpu.sem_alloc : memref<!tpu.dma_semaphore, #tpu.memory_space<semaphore_mem>>
      tpu.enqueue_dma source(%arg7 : memref<128x16xf32, #tpu.memory_space<hbm>>) target(%arg16 : memref<128x16xf32, #tpu.memory_space<vmem>>) target_semaphore(%run_scoped3A : memref<!tpu.dma_semaphore, #tpu.memory_space<semaphore_mem>>)
      tpu.wait_dma2 semaphore(%run_scoped3A : memref<!tpu.dma_semaphore, #tpu.memory_space<semaphore_mem>>) src(%arg7 : memref<128x16xf32, #tpu.memory_space<hbm>>) dst(%arg16 : memref<128x16xf32, #tpu.memory_space<vmem>>)
      tpu.yield
    }) : () -> ()
    %barrier3A = arith.constant 0 : index
    tpu.barrier barrier_id(%barrier3A)
    %mul3A_5 = arith.constant 78 : i32
    %mul3A_6 = arith.muli %add3A, %mul3A_5 : i32
    %add3A_7 = arith.constant 0 : i32
    %add3A_8 = arith.addi %mul3A_6, %add3A_7 : i32
    "tpu.region"() ({
      %run_scoped3A = tpu.sem_alloc : memref<!tpu.dma_semaphore, #tpu.memory_space<semaphore_mem>>
      %dma_start3A_44 = arith.constant 0 : i32
      %dma_start3A_45 = tpu.memref_slice %arg3[%add3A_8, %dma_start3A_44] : memref<2500x128xi32, #tpu.memory_space<hbm>> -> memref<1x128xi32, #tpu.memory_space<hbm>>
      %dma_start3A_46 = tpu.memref_squeeze %dma_start3A_45 : memref<1x128xi32, #tpu.memory_space<hbm>> -> memref<128xi32, #tpu.memory_space<hbm>>
      %dma_start3A_47 = arith.constant 0 : i32
      %dma_start3A_48 = tpu.memref_slice %arg3[%add3A_8, %dma_start3A_47] : memref<2500x128xi32, #tpu.memory_space<hbm>> -> memref<1x128xi32, #tpu.memory_space<hbm>>
      %dma_start3A_49 = tpu.memref_squeeze %dma_start3A_48 : memref<1x128xi32, #tpu.memory_space<hbm>> -> memref<128xi32, #tpu.memory_space<hbm>>
      tpu.enqueue_dma source(%dma_start3A_49 : memref<128xi32, #tpu.memory_space<hbm>>) target(%arg10 : memref<128xi32, #tpu.memory_space<vmem>>) target_semaphore(%run_scoped3A : memref<!tpu.dma_semaphore, #tpu.memory_space<semaphore_mem>>)
      %dma_wait3A = arith.constant 0 : i32
      %dma_wait3A_50 = tpu.memref_slice %arg3[%add3A_8, %dma_wait3A] : memref<2500x128xi32, #tpu.memory_space<hbm>> -> memref<1x128xi32, #tpu.memory_space<hbm>>
      %dma_wait3A_51 = tpu.memref_squeeze %dma_wait3A_50 : memref<1x128xi32, #tpu.memory_space<hbm>> -> memref<128xi32, #tpu.memory_space<hbm>>
      %dma_wait3A_52 = arith.constant 0 : i32
      %dma_wait3A_53 = tpu.memref_slice %arg3[%add3A_8, %dma_wait3A_52] : memref<2500x128xi32, #tpu.memory_space<hbm>> -> memref<1x128xi32, #tpu.memory_space<hbm>>
      %dma_wait3A_54 = tpu.memref_squeeze %dma_wait3A_53 : memref<1x128xi32, #tpu.memory_space<hbm>> -> memref<128xi32, #tpu.memory_space<hbm>>
      tpu.wait_dma2 semaphore(%run_scoped3A : memref<!tpu.dma_semaphore, #tpu.memory_space<semaphore_mem>>) src(%dma_wait3A_54 : memref<128xi32, #tpu.memory_space<hbm>>) dst(%arg10 : memref<128xi32, #tpu.memory_space<vmem>>)
      tpu.yield
    }) : () -> ()
    %add3A_9 = arith.constant 0 : i32
    %add3A_10 = arith.addi %mul3A_6, %add3A_9 : i32
    "tpu.region"() ({
      %run_scoped3A = tpu.sem_alloc : memref<!tpu.dma_semaphore, #tpu.memory_space<semaphore_mem>>
      %dma_start3A_44 = arith.constant 0 : i32
      %dma_start3A_45 = tpu.memref_slice %arg4[%add3A_10, %dma_start3A_44] : memref<2500x128xi32, #tpu.memory_space<hbm>> -> memref<1x128xi32, #tpu.memory_space<hbm>>
      %dma_start3A_46 = tpu.memref_squeeze %dma_start3A_45 : memref<1x128xi32, #tpu.memory_space<hbm>> -> memref<128xi32, #tpu.memory_space<hbm>>
      %dma_start3A_47 = arith.constant 0 : i32
      %dma_start3A_48 = tpu.memref_slice %arg4[%add3A_10, %dma_start3A_47] : memref<2500x128xi32, #tpu.memory_space<hbm>> -> memref<1x128xi32, #tpu.memory_space<hbm>>
      %dma_start3A_49 = tpu.memref_squeeze %dma_start3A_48 : memref<1x128xi32, #tpu.memory_space<hbm>> -> memref<128xi32, #tpu.memory_space<hbm>>
      tpu.enqueue_dma source(%dma_start3A_49 : memref<128xi32, #tpu.memory_space<hbm>>) target(%arg12 : memref<128xi32, #tpu.memory_space<vmem>>) target_semaphore(%run_scoped3A : memref<!tpu.dma_semaphore, #tpu.memory_space<semaphore_mem>>)
      %dma_wait3A = arith.constant 0 : i32
      %dma_wait3A_50 = tpu.memref_slice %arg4[%add3A_10, %dma_wait3A] : memref<2500x128xi32, #tpu.memory_space<hbm>> -> memref<1x128xi32, #tpu.memory_space<hbm>>
      %dma_wait3A_51 = tpu.memref_squeeze %dma_wait3A_50 : memref<1x128xi32, #tpu.memory_space<hbm>> -> memref<128xi32, #tpu.memory_space<hbm>>
      %dma_wait3A_52 = arith.constant 0 : i32
      %dma_wait3A_53 = tpu.memref_slice %arg4[%add3A_10, %dma_wait3A_52] : memref<2500x128xi32, #tpu.memory_space<hbm>> -> memref<1x128xi32, #tpu.memory_space<hbm>>
      %dma_wait3A_54 = tpu.memref_squeeze %dma_wait3A_53 : memref<1x128xi32, #tpu.memory_space<hbm>> -> memref<128xi32, #tpu.memory_space<hbm>>
      tpu.wait_dma2 semaphore(%run_scoped3A : memref<!tpu.dma_semaphore, #tpu.memory_space<semaphore_mem>>) src(%dma_wait3A_54 : memref<128xi32, #tpu.memory_space<hbm>>) dst(%arg12 : memref<128xi32, #tpu.memory_space<vmem>>)
      tpu.yield
    }) : () -> ()
    %dma_start3A = arith.constant 0 : i32
    %dma_start3A_11 = arith.constant 0 : i32
    %dma_start3A_12 = tpu.memref_slice %arg2[%dma_start3A, %dma_start3A_11] : memref<10000x128xf32, #tpu.memory_space<hbm>> -> memref<10000x128xf32, #tpu.memory_space<hbm>>
    tpu.enqueue_indirect_dma source(%dma_start3A_12 : memref<10000x128xf32, #tpu.memory_space<hbm>>) target(%arg14 : memref<128x128xf32, #tpu.memory_space<vmem>>) offsets(%arg10 : memref<128xi32, #tpu.memory_space<vmem>>) semaphore(%arg21 : memref<!tpu.dma_semaphore, #tpu.memory_space<semaphore_mem>>)
    %add3A_13 = arith.constant 1 : i32
    %add3A_14 = arith.addi %mul3A_6, %add3A_13 : i32
    %dma_start3A_15 = arith.constant 0 : i32
    %dma_start3A_16 = tpu.memref_slice %arg3[%add3A_14, %dma_start3A_15] : memref<2500x128xi32, #tpu.memory_space<hbm>> -> memref<1x128xi32, #tpu.memory_space<hbm>>
    %dma_start3A_17 = tpu.memref_squeeze %dma_start3A_16 : memref<1x128xi32, #tpu.memory_space<hbm>> -> memref<128xi32, #tpu.memory_space<hbm>>
    %dma_start3A_18 = arith.constant 0 : i32
    %dma_start3A_19 = tpu.memref_slice %arg3[%add3A_14, %dma_start3A_18] : memref<2500x128xi32, #tpu.memory_space<hbm>> -> memref<1x128xi32, #tpu.memory_space<hbm>>
    %dma_start3A_20 = tpu.memref_squeeze %dma_start3A_19 : memref<1x128xi32, #tpu.memory_space<hbm>> -> memref<128xi32, #tpu.memory_space<hbm>>
    tpu.enqueue_dma source(%dma_start3A_20 : memref<128xi32, #tpu.memory_space<hbm>>) target(%arg11 : memref<128xi32, #tpu.memory_space<vmem>>) target_semaphore(%arg20 : memref<!tpu.dma_semaphore, #tpu.memory_space<semaphore_mem>>)
    %add3A_21 = arith.constant 1 : i32
    %add3A_22 = arith.addi %mul3A_6, %add3A_21 : i32
    %dma_start3A_23 = arith.constant 0 : i32
    %dma_start3A_24 = tpu.memref_slice %arg4[%add3A_22, %dma_start3A_23] : memref<2500x128xi32, #tpu.memory_space<hbm>> -> memref<1x128xi32, #tpu.memory_space<hbm>>
    %dma_start3A_25 = tpu.memref_squeeze %dma_start3A_24 : memref<1x128xi32, #tpu.memory_space<hbm>> -> memref<128xi32, #tpu.memory_space<hbm>>
    %dma_start3A_26 = arith.constant 0 : i32
    %dma_start3A_27 = tpu.memref_slice %arg4[%add3A_22, %dma_start3A_26] : memref<2500x128xi32, #tpu.memory_space<hbm>> -> memref<1x128xi32, #tpu.memory_space<hbm>>
    %dma_start3A_28 = tpu.memref_squeeze %dma_start3A_27 : memref<1x128xi32, #tpu.memory_space<hbm>> -> memref<128xi32, #tpu.memory_space<hbm>>
    tpu.enqueue_dma source(%dma_start3A_28 : memref<128xi32, #tpu.memory_space<hbm>>) target(%arg13 : memref<128xi32, #tpu.memory_space<vmem>>) target_semaphore(%arg20 : memref<!tpu.dma_semaphore, #tpu.memory_space<semaphore_mem>>)
    %scan3A = arith.constant 0 : i32
    %scan3A_29 = arith.constant 0 : i32
    %scan3A_30 = arith.constant 39 : i32
    %scan3A_31 = arith.addi %scan3A_29, %scan3A_30 : i32
    %scan3A_32 = arith.constant 1 : i32
    scf.for %scan3A_44 = %scan3A_29 to %scan3A_31 step %scan3A_32  : i32 {
      %mul3A_45 = arith.constant 2 : i32
      %mul3A_46 = arith.muli %scan3A_44, %mul3A_45 : i32
      %add3A_47 = arith.constant 0 : i32
      %add3A_48 = arith.addi %mul3A_46, %add3A_47 : i32
      %add3A_49 = arith.constant 1 : i32
      %add3A_50 = arith.addi %add3A_48, %add3A_49 : i32
      %lt3A_51 = arith.constant 78 : i32
      %lt3A_52 = arith.cmpi slt, %add3A_50, %lt3A_51 : i32
      %convert_element_type3A_53 = arith.extui %lt3A_52 : i1 to i32
      %cond3A_54 = arith.constant 0 : i32
      %cond3A_55 = arith.cmpi ne, %convert_element_type3A_53, %cond3A_54 : i32
      scf.if %cond3A_55 {
        %dma_wait3A_110 = arith.constant 0 : i32
        %dma_wait3A_111 = arith.constant 0 : i32
        %dma_wait3A_112 = tpu.memref_slice %arg3[%dma_wait3A_110, %dma_wait3A_111] : memref<2500x128xi32, #tpu.memory_space<hbm>> -> memref<1x128xi32, #tpu.memory_space<hbm>>
        %dma_wait3A_113 = tpu.memref_squeeze %dma_wait3A_112 : memref<1x128xi32, #tpu.memory_space<hbm>> -> memref<128xi32, #tpu.memory_space<hbm>>
        %dma_wait3A_114 = arith.constant 0 : i32
        %dma_wait3A_115 = tpu.memref_slice %arg3[%dma_wait3A_110, %dma_wait3A_114] : memref<2500x128xi32, #tpu.memory_space<hbm>> -> memref<1x128xi32, #tpu.memory_space<hbm>>
        %dma_wait3A_116 = tpu.memref_squeeze %dma_wait3A_115 : memref<1x128xi32, #tpu.memory_space<hbm>> -> memref<128xi32, #tpu.memory_space<hbm>>
        tpu.wait_dma2 semaphore(%arg20 : memref<!tpu.dma_semaphore, #tpu.memory_space<semaphore_mem>>) src(%dma_wait3A_116 : memref<128xi32, #tpu.memory_space<hbm>>) dst(%arg11 : memref<128xi32, #tpu.memory_space<vmem>>)
        %dma_wait3A_117 = arith.constant 0 : i32
        %dma_wait3A_118 = arith.constant 0 : i32
        %dma_wait3A_119 = tpu.memref_slice %arg4[%dma_wait3A_117, %dma_wait3A_118] : memref<2500x128xi32, #tpu.memory_space<hbm>> -> memref<1x128xi32, #tpu.memory_space<hbm>>
        %dma_wait3A_120 = tpu.memref_squeeze %dma_wait3A_119 : memref<1x128xi32, #tpu.memory_space<hbm>> -> memref<128xi32, #tpu.memory_space<hbm>>
        %dma_wait3A_121 = arith.constant 0 : i32
        %dma_wait3A_122 = tpu.memref_slice %arg4[%dma_wait3A_117, %dma_wait3A_121] : memref<2500x128xi32, #tpu.memory_space<hbm>> -> memref<1x128xi32, #tpu.memory_space<hbm>>
        %dma_wait3A_123 = tpu.memref_squeeze %dma_wait3A_122 : memref<1x128xi32, #tpu.memory_space<hbm>> -> memref<128xi32, #tpu.memory_space<hbm>>
        tpu.wait_dma2 semaphore(%arg20 : memref<!tpu.dma_semaphore, #tpu.memory_space<semaphore_mem>>) src(%dma_wait3A_123 : memref<128xi32, #tpu.memory_space<hbm>>) dst(%arg13 : memref<128xi32, #tpu.memory_space<vmem>>)
        %dma_start3A_124 = arith.constant 0 : i32
        %dma_start3A_125 = arith.constant 0 : i32
        %dma_start3A_126 = tpu.memref_slice %arg2[%dma_start3A_124, %dma_start3A_125] : memref<10000x128xf32, #tpu.memory_space<hbm>> -> memref<10000x128xf32, #tpu.memory_space<hbm>>
        tpu.enqueue_indirect_dma source(%dma_start3A_126 : memref<10000x128xf32, #tpu.memory_space<hbm>>) target(%arg15 : memref<128x128xf32, #tpu.memory_space<vmem>>) offsets(%arg11 : memref<128xi32, #tpu.memory_space<vmem>>) semaphore(%arg22 : memref<!tpu.dma_semaphore, #tpu.memory_space<semaphore_mem>>)
      } else {
      }
      %dma_wait3A = arith.constant 0 : i32
      %dma_wait3A_56 = arith.constant 0 : i32
      %dma_wait3A_57 = tpu.memref_slice %arg2[%dma_wait3A, %dma_wait3A_56] : memref<10000x128xf32, #tpu.memory_space<hbm>> -> memref<10000x128xf32, #tpu.memory_space<hbm>>
      tpu.wait_indirect_dma semaphore(%arg21 : memref<!tpu.dma_semaphore, #tpu.memory_space<semaphore_mem>>) src(%dma_wait3A_57 : memref<10000x128xf32, #tpu.memory_space<hbm>>) dst(%arg14 : memref<128x128xf32, #tpu.memory_space<vmem>>)
      %dma_start3A_58 = arith.constant 0 : i32
      %dma_start3A_59 = arith.constant 0 : i32
      %dma_start3A_60 = tpu.memref_slice %arg17[%dma_start3A_58, %dma_start3A_59] : memref<10000x128xf32, #tpu.memory_space<vmem_shared>> -> memref<10000x128xf32, #tpu.memory_space<vmem_shared>>
      tpu.enqueue_indirect_dma source(%arg14 : memref<128x128xf32, #tpu.memory_space<vmem>>) target(%dma_start3A_60 : memref<10000x128xf32, #tpu.memory_space<vmem_shared>>) offsets(%arg12 : memref<128xi32, #tpu.memory_space<vmem>>) semaphore(%arg23 : memref<!tpu.dma_semaphore, #tpu.memory_space<semaphore_mem>>) {add = true}
      %dma_start3A_61 = arith.constant 0 : i32
      %dma_start3A_62 = arith.constant 0 : i32
      %dma_start3A_63 = tpu.memref_slice %arg18[%dma_start3A_61, %dma_start3A_62] : memref<10000x16xf32, #tpu.memory_space<vmem_shared>> -> memref<10000x16xf32, #tpu.memory_space<vmem_shared>>
      tpu.enqueue_indirect_dma source(%arg16 : memref<128x16xf32, #tpu.memory_space<vmem>>) target(%dma_start3A_63 : memref<10000x16xf32, #tpu.memory_space<vmem_shared>>) offsets(%arg12 : memref<128xi32, #tpu.memory_space<vmem>>) semaphore(%arg25 : memref<!tpu.dma_semaphore, #tpu.memory_space<semaphore_mem>>) {add = true}
      %dma_wait3A_64 = arith.constant 0 : i32
      %dma_wait3A_65 = arith.constant 0 : i32
      %dma_wait3A_66 = tpu.memref_slice %arg17[%dma_wait3A_64, %dma_wait3A_65] : memref<10000x128xf32, #tpu.memory_space<vmem_shared>> -> memref<10000x128xf32, #tpu.memory_space<vmem_shared>>
      tpu.wait_indirect_dma semaphore(%arg23 : memref<!tpu.dma_semaphore, #tpu.memory_space<semaphore_mem>>) src(%arg14 : memref<128x128xf32, #tpu.memory_space<vmem>>) dst(%dma_wait3A_66 : memref<10000x128xf32, #tpu.memory_space<vmem_shared>>)
      %dma_wait3A_67 = arith.constant 0 : i32
      %dma_wait3A_68 = arith.constant 0 : i32
      %dma_wait3A_69 = tpu.memref_slice %arg18[%dma_wait3A_67, %dma_wait3A_68] : memref<10000x16xf32, #tpu.memory_space<vmem_shared>> -> memref<10000x16xf32, #tpu.memory_space<vmem_shared>>
      tpu.wait_indirect_dma semaphore(%arg25 : memref<!tpu.dma_semaphore, #tpu.memory_space<semaphore_mem>>) src(%arg16 : memref<128x16xf32, #tpu.memory_space<vmem>>) dst(%dma_wait3A_69 : memref<10000x16xf32, #tpu.memory_space<vmem_shared>>)
      %add3A_70 = arith.constant 2 : i32
      %add3A_71 = arith.addi %add3A_48, %add3A_70 : i32
      %lt3A_72 = arith.constant 78 : i32
      %lt3A_73 = arith.cmpi slt, %add3A_71, %lt3A_72 : i32
      %convert_element_type3A_74 = arith.extui %lt3A_73 : i1 to i32
      %cond3A_75 = arith.constant 0 : i32
      %cond3A_76 = arith.cmpi ne, %convert_element_type3A_74, %cond3A_75 : i32
      scf.if %cond3A_76 {
        %add3A_110 = arith.addi %mul3A_6, %add3A_48 : i32
        %add3A_111 = arith.constant 2 : i32
        %add3A_112 = arith.addi %add3A_110, %add3A_111 : i32
        %dma_start3A_113 = arith.constant 0 : i32
        %dma_start3A_114 = tpu.memref_slice %arg3[%add3A_112, %dma_start3A_113] : memref<2500x128xi32, #tpu.memory_space<hbm>> -> memref<1x128xi32, #tpu.memory_space<hbm>>
        %dma_start3A_115 = tpu.memref_squeeze %dma_start3A_114 : memref<1x128xi32, #tpu.memory_space<hbm>> -> memref<128xi32, #tpu.memory_space<hbm>>
        %dma_start3A_116 = arith.constant 0 : i32
        %dma_start3A_117 = tpu.memref_slice %arg3[%add3A_112, %dma_start3A_116] : memref<2500x128xi32, #tpu.memory_space<hbm>> -> memref<1x128xi32, #tpu.memory_space<hbm>>
        %dma_start3A_118 = tpu.memref_squeeze %dma_start3A_117 : memref<1x128xi32, #tpu.memory_space<hbm>> -> memref<128xi32, #tpu.memory_space<hbm>>
        tpu.enqueue_dma source(%dma_start3A_118 : memref<128xi32, #tpu.memory_space<hbm>>) target(%arg10 : memref<128xi32, #tpu.memory_space<vmem>>) target_semaphore(%arg19 : memref<!tpu.dma_semaphore, #tpu.memory_space<semaphore_mem>>)
        %add3A_119 = arith.addi %mul3A_6, %add3A_48 : i32
        %add3A_120 = arith.constant 2 : i32
        %add3A_121 = arith.addi %add3A_119, %add3A_120 : i32
        %dma_start3A_122 = arith.constant 0 : i32
        %dma_start3A_123 = tpu.memref_slice %arg4[%add3A_121, %dma_start3A_122] : memref<2500x128xi32, #tpu.memory_space<hbm>> -> memref<1x128xi32, #tpu.memory_space<hbm>>
        %dma_start3A_124 = tpu.memref_squeeze %dma_start3A_123 : memref<1x128xi32, #tpu.memory_space<hbm>> -> memref<128xi32, #tpu.memory_space<hbm>>
        %dma_start3A_125 = arith.constant 0 : i32
        %dma_start3A_126 = tpu.memref_slice %arg4[%add3A_121, %dma_start3A_125] : memref<2500x128xi32, #tpu.memory_space<hbm>> -> memref<1x128xi32, #tpu.memory_space<hbm>>
        %dma_start3A_127 = tpu.memref_squeeze %dma_start3A_126 : memref<1x128xi32, #tpu.memory_space<hbm>> -> memref<128xi32, #tpu.memory_space<hbm>>
        tpu.enqueue_dma source(%dma_start3A_127 : memref<128xi32, #tpu.memory_space<hbm>>) target(%arg12 : memref<128xi32, #tpu.memory_space<vmem>>) target_semaphore(%arg19 : memref<!tpu.dma_semaphore, #tpu.memory_space<semaphore_mem>>)
      } else {
      }
      %mul3A_77 = arith.constant 2 : i32
      %mul3A_78 = arith.muli %scan3A_44, %mul3A_77 : i32
      %add3A_79 = arith.constant 1 : i32
      %add3A_80 = arith.addi %mul3A_78, %add3A_79 : i32
      %add3A_81 = arith.constant 1 : i32
      %add3A_82 = arith.addi %add3A_80, %add3A_81 : i32
      %lt3A_83 = arith.constant 78 : i32
      %lt3A_84 = arith.cmpi slt, %add3A_82, %lt3A_83 : i32
      %convert_element_type3A_85 = arith.extui %lt3A_84 : i1 to i32
      %cond3A_86 = arith.constant 0 : i32
      %cond3A_87 = arith.cmpi ne, %convert_element_type3A_85, %cond3A_86 : i32
      scf.if %cond3A_87 {
        %dma_wait3A_110 = arith.constant 0 : i32
        %dma_wait3A_111 = arith.constant 0 : i32
        %dma_wait3A_112 = tpu.memref_slice %arg3[%dma_wait3A_110, %dma_wait3A_111] : memref<2500x128xi32, #tpu.memory_space<hbm>> -> memref<1x128xi32, #tpu.memory_space<hbm>>
        %dma_wait3A_113 = tpu.memref_squeeze %dma_wait3A_112 : memref<1x128xi32, #tpu.memory_space<hbm>> -> memref<128xi32, #tpu.memory_space<hbm>>
        %dma_wait3A_114 = arith.constant 0 : i32
        %dma_wait3A_115 = tpu.memref_slice %arg3[%dma_wait3A_110, %dma_wait3A_114] : memref<2500x128xi32, #tpu.memory_space<hbm>> -> memref<1x128xi32, #tpu.memory_space<hbm>>
        %dma_wait3A_116 = tpu.memref_squeeze %dma_wait3A_115 : memref<1x128xi32, #tpu.memory_space<hbm>> -> memref<128xi32, #tpu.memory_space<hbm>>
        tpu.wait_dma2 semaphore(%arg19 : memref<!tpu.dma_semaphore, #tpu.memory_space<semaphore_mem>>) src(%dma_wait3A_116 : memref<128xi32, #tpu.memory_space<hbm>>) dst(%arg10 : memref<128xi32, #tpu.memory_space<vmem>>)
        %dma_wait3A_117 = arith.constant 0 : i32
        %dma_wait3A_118 = arith.constant 0 : i32
        %dma_wait3A_119 = tpu.memref_slice %arg4[%dma_wait3A_117, %dma_wait3A_118] : memref<2500x128xi32, #tpu.memory_space<hbm>> -> memref<1x128xi32, #tpu.memory_space<hbm>>
        %dma_wait3A_120 = tpu.memref_squeeze %dma_wait3A_119 : memref<1x128xi32, #tpu.memory_space<hbm>> -> memref<128xi32, #tpu.memory_space<hbm>>
        %dma_wait3A_121 = arith.constant 0 : i32
        %dma_wait3A_122 = tpu.memref_slice %arg4[%dma_wait3A_117, %dma_wait3A_121] : memref<2500x128xi32, #tpu.memory_space<hbm>> -> memref<1x128xi32, #tpu.memory_space<hbm>>
        %dma_wait3A_123 = tpu.memref_squeeze %dma_wait3A_122 : memref<1x128xi32, #tpu.memory_space<hbm>> -> memref<128xi32, #tpu.memory_space<hbm>>
        tpu.wait_dma2 semaphore(%arg19 : memref<!tpu.dma_semaphore, #tpu.memory_space<semaphore_mem>>) src(%dma_wait3A_123 : memref<128xi32, #tpu.memory_space<hbm>>) dst(%arg12 : memref<128xi32, #tpu.memory_space<vmem>>)
        %dma_start3A_124 = arith.constant 0 : i32
        %dma_start3A_125 = arith.constant 0 : i32
        %dma_start3A_126 = tpu.memref_slice %arg2[%dma_start3A_124, %dma_start3A_125] : memref<10000x128xf32, #tpu.memory_space<hbm>> -> memref<10000x128xf32, #tpu.memory_space<hbm>>
        tpu.enqueue_indirect_dma source(%dma_start3A_126 : memref<10000x128xf32, #tpu.memory_space<hbm>>) target(%arg14 : memref<128x128xf32, #tpu.memory_space<vmem>>) offsets(%arg10 : memref<128xi32, #tpu.memory_space<vmem>>) semaphore(%arg21 : memref<!tpu.dma_semaphore, #tpu.memory_space<semaphore_mem>>)
      } else {
      }
      %dma_wait3A_88 = arith.constant 0 : i32
      %dma_wait3A_89 = arith.constant 0 : i32
      %dma_wait3A_90 = tpu.memref_slice %arg2[%dma_wait3A_88, %dma_wait3A_89] : memref<10000x128xf32, #tpu.memory_space<hbm>> -> memref<10000x128xf32, #tpu.memory_space<hbm>>
      tpu.wait_indirect_dma semaphore(%arg22 : memref<!tpu.dma_semaphore, #tpu.memory_space<semaphore_mem>>) src(%dma_wait3A_90 : memref<10000x128xf32, #tpu.memory_space<hbm>>) dst(%arg15 : memref<128x128xf32, #tpu.memory_space<vmem>>)
      %dma_start3A_91 = arith.constant 0 : i32
      %dma_start3A_92 = arith.constant 0 : i32
      %dma_start3A_93 = tpu.memref_slice %arg17[%dma_start3A_91, %dma_start3A_92] : memref<10000x128xf32, #tpu.memory_space<vmem_shared>> -> memref<10000x128xf32, #tpu.memory_space<vmem_shared>>
      tpu.enqueue_indirect_dma source(%arg15 : memref<128x128xf32, #tpu.memory_space<vmem>>) target(%dma_start3A_93 : memref<10000x128xf32, #tpu.memory_space<vmem_shared>>) offsets(%arg13 : memref<128xi32, #tpu.memory_space<vmem>>) semaphore(%arg24 : memref<!tpu.dma_semaphore, #tpu.memory_space<semaphore_mem>>) {add = true}
      %dma_start3A_94 = arith.constant 0 : i32
      %dma_start3A_95 = arith.constant 0 : i32
      %dma_start3A_96 = tpu.memref_slice %arg18[%dma_start3A_94, %dma_start3A_95] : memref<10000x16xf32, #tpu.memory_space<vmem_shared>> -> memref<10000x16xf32, #tpu.memory_space<vmem_shared>>
      tpu.enqueue_indirect_dma source(%arg16 : memref<128x16xf32, #tpu.memory_space<vmem>>) target(%dma_start3A_96 : memref<10000x16xf32, #tpu.memory_space<vmem_shared>>) offsets(%arg13 : memref<128xi32, #tpu.memory_space<vmem>>) semaphore(%arg26 : memref<!tpu.dma_semaphore, #tpu.memory_space<semaphore_mem>>) {add = true}
      %dma_wait3A_97 = arith.constant 0 : i32
      %dma_wait3A_98 = arith.constant 0 : i32
      %dma_wait3A_99 = tpu.memref_slice %arg17[%dma_wait3A_97, %dma_wait3A_98] : memref<10000x128xf32, #tpu.memory_space<vmem_shared>> -> memref<10000x128xf32, #tpu.memory_space<vmem_shared>>
      tpu.wait_indirect_dma semaphore(%arg24 : memref<!tpu.dma_semaphore, #tpu.memory_space<semaphore_mem>>) src(%arg15 : memref<128x128xf32, #tpu.memory_space<vmem>>) dst(%dma_wait3A_99 : memref<10000x128xf32, #tpu.memory_space<vmem_shared>>)
      %dma_wait3A_100 = arith.constant 0 : i32
      %dma_wait3A_101 = arith.constant 0 : i32
      %dma_wait3A_102 = tpu.memref_slice %arg18[%dma_wait3A_100, %dma_wait3A_101] : memref<10000x16xf32, #tpu.memory_space<vmem_shared>> -> memref<10000x16xf32, #tpu.memory_space<vmem_shared>>
      tpu.wait_indirect_dma semaphore(%arg26 : memref<!tpu.dma_semaphore, #tpu.memory_space<semaphore_mem>>) src(%arg16 : memref<128x16xf32, #tpu.memory_space<vmem>>) dst(%dma_wait3A_102 : memref<10000x16xf32, #tpu.memory_space<vmem_shared>>)
      %add3A_103 = arith.constant 2 : i32
      %add3A_104 = arith.addi %add3A_80, %add3A_103 : i32
      %lt3A_105 = arith.constant 78 : i32
      %lt3A_106 = arith.cmpi slt, %add3A_104, %lt3A_105 : i32
      %convert_element_type3A_107 = arith.extui %lt3A_106 : i1 to i32
      %cond3A_108 = arith.constant 0 : i32
      %cond3A_109 = arith.cmpi ne, %convert_element_type3A_107, %cond3A_108 : i32
      scf.if %cond3A_109 {
        %add3A_110 = arith.addi %mul3A_6, %add3A_80 : i32
        %add3A_111 = arith.constant 2 : i32
        %add3A_112 = arith.addi %add3A_110, %add3A_111 : i32
        %dma_start3A_113 = arith.constant 0 : i32
        %dma_start3A_114 = tpu.memref_slice %arg3[%add3A_112, %dma_start3A_113] : memref<2500x128xi32, #tpu.memory_space<hbm>> -> memref<1x128xi32, #tpu.memory_space<hbm>>
        %dma_start3A_115 = tpu.memref_squeeze %dma_start3A_114 : memref<1x128xi32, #tpu.memory_space<hbm>> -> memref<128xi32, #tpu.memory_space<hbm>>
        %dma_start3A_116 = arith.constant 0 : i32
        %dma_start3A_117 = tpu.memref_slice %arg3[%add3A_112, %dma_start3A_116] : memref<2500x128xi32, #tpu.memory_space<hbm>> -> memref<1x128xi32, #tpu.memory_space<hbm>>
        %dma_start3A_118 = tpu.memref_squeeze %dma_start3A_117 : memref<1x128xi32, #tpu.memory_space<hbm>> -> memref<128xi32, #tpu.memory_space<hbm>>
        tpu.enqueue_dma source(%dma_start3A_118 : memref<128xi32, #tpu.memory_space<hbm>>) target(%arg11 : memref<128xi32, #tpu.memory_space<vmem>>) target_semaphore(%arg20 : memref<!tpu.dma_semaphore, #tpu.memory_space<semaphore_mem>>)
        %add3A_119 = arith.addi %mul3A_6, %add3A_80 : i32
        %add3A_120 = arith.constant 2 : i32
        %add3A_121 = arith.addi %add3A_119, %add3A_120 : i32
        %dma_start3A_122 = arith.constant 0 : i32
        %dma_start3A_123 = tpu.memref_slice %arg4[%add3A_121, %dma_start3A_122] : memref<2500x128xi32, #tpu.memory_space<hbm>> -> memref<1x128xi32, #tpu.memory_space<hbm>>
        %dma_start3A_124 = tpu.memref_squeeze %dma_start3A_123 : memref<1x128xi32, #tpu.memory_space<hbm>> -> memref<128xi32, #tpu.memory_space<hbm>>
        %dma_start3A_125 = arith.constant 0 : i32
        %dma_start3A_126 = tpu.memref_slice %arg4[%add3A_121, %dma_start3A_125] : memref<2500x128xi32, #tpu.memory_space<hbm>> -> memref<1x128xi32, #tpu.memory_space<hbm>>
        %dma_start3A_127 = tpu.memref_squeeze %dma_start3A_126 : memref<1x128xi32, #tpu.memory_space<hbm>> -> memref<128xi32, #tpu.memory_space<hbm>>
        tpu.enqueue_dma source(%dma_start3A_127 : memref<128xi32, #tpu.memory_space<hbm>>) target(%arg13 : memref<128xi32, #tpu.memory_space<vmem>>) target_semaphore(%arg20 : memref<!tpu.dma_semaphore, #tpu.memory_space<semaphore_mem>>)
      } else {
      }
    }
    %scan3A_33 = arith.constant 39 : i32
    %lt3A = arith.constant 4 : i32
    %lt3A_34 = arith.cmpi slt, %add3A, %lt3A : i32
    %convert_element_type3A_35 = arith.extui %lt3A_34 : i1 to i32
    %cond3A_36 = arith.constant 0 : i32
    %cond3A_37 = arith.cmpi ne, %convert_element_type3A_35, %cond3A_36 : i32
    scf.if %cond3A_37 {
      %add3A_44 = arith.constant 2496 : i32
      %add3A_45 = arith.addi %add3A_44, %add3A : i32
      "tpu.region"() ({
        %run_scoped3A = tpu.sem_alloc : memref<!tpu.dma_semaphore, #tpu.memory_space<semaphore_mem>>
        %dma_start3A_51 = arith.constant 0 : i32
        %dma_start3A_52 = tpu.memref_slice %arg3[%add3A_45, %dma_start3A_51] : memref<2500x128xi32, #tpu.memory_space<hbm>> -> memref<1x128xi32, #tpu.memory_space<hbm>>
        %dma_start3A_53 = tpu.memref_squeeze %dma_start3A_52 : memref<1x128xi32, #tpu.memory_space<hbm>> -> memref<128xi32, #tpu.memory_space<hbm>>
        %dma_start3A_54 = arith.constant 0 : i32
        %dma_start3A_55 = tpu.memref_slice %arg3[%add3A_45, %dma_start3A_54] : memref<2500x128xi32, #tpu.memory_space<hbm>> -> memref<1x128xi32, #tpu.memory_space<hbm>>
        %dma_start3A_56 = tpu.memref_squeeze %dma_start3A_55 : memref<1x128xi32, #tpu.memory_space<hbm>> -> memref<128xi32, #tpu.memory_space<hbm>>
        tpu.enqueue_dma source(%dma_start3A_56 : memref<128xi32, #tpu.memory_space<hbm>>) target(%arg10 : memref<128xi32, #tpu.memory_space<vmem>>) target_semaphore(%run_scoped3A : memref<!tpu.dma_semaphore, #tpu.memory_space<semaphore_mem>>)
        %dma_wait3A_57 = arith.constant 0 : i32
        %dma_wait3A_58 = tpu.memref_slice %arg3[%add3A_45, %dma_wait3A_57] : memref<2500x128xi32, #tpu.memory_space<hbm>> -> memref<1x128xi32, #tpu.memory_space<hbm>>
        %dma_wait3A_59 = tpu.memref_squeeze %dma_wait3A_58 : memref<1x128xi32, #tpu.memory_space<hbm>> -> memref<128xi32, #tpu.memory_space<hbm>>
        %dma_wait3A_60 = arith.constant 0 : i32
        %dma_wait3A_61 = tpu.memref_slice %arg3[%add3A_45, %dma_wait3A_60] : memref<2500x128xi32, #tpu.memory_space<hbm>> -> memref<1x128xi32, #tpu.memory_space<hbm>>
        %dma_wait3A_62 = tpu.memref_squeeze %dma_wait3A_61 : memref<1x128xi32, #tpu.memory_space<hbm>> -> memref<128xi32, #tpu.memory_space<hbm>>
        tpu.wait_dma2 semaphore(%run_scoped3A : memref<!tpu.dma_semaphore, #tpu.memory_space<semaphore_mem>>) src(%dma_wait3A_62 : memref<128xi32, #tpu.memory_space<hbm>>) dst(%arg10 : memref<128xi32, #tpu.memory_space<vmem>>)
        tpu.yield
      }) : () -> ()
      "tpu.region"() ({
        %run_scoped3A = tpu.sem_alloc : memref<!tpu.dma_semaphore, #tpu.memory_space<semaphore_mem>>
        %dma_start3A_51 = arith.constant 0 : i32
        %dma_start3A_52 = tpu.memref_slice %arg4[%add3A_45, %dma_start3A_51] : memref<2500x128xi32, #tpu.memory_space<hbm>> -> memref<1x128xi32, #tpu.memory_space<hbm>>
        %dma_start3A_53 = tpu.memref_squeeze %dma_start3A_52 : memref<1x128xi32, #tpu.memory_space<hbm>> -> memref<128xi32, #tpu.memory_space<hbm>>
        %dma_start3A_54 = arith.constant 0 : i32
        %dma_start3A_55 = tpu.memref_slice %arg4[%add3A_45, %dma_start3A_54] : memref<2500x128xi32, #tpu.memory_space<hbm>> -> memref<1x128xi32, #tpu.memory_space<hbm>>
        %dma_start3A_56 = tpu.memref_squeeze %dma_start3A_55 : memref<1x128xi32, #tpu.memory_space<hbm>> -> memref<128xi32, #tpu.memory_space<hbm>>
        tpu.enqueue_dma source(%dma_start3A_56 : memref<128xi32, #tpu.memory_space<hbm>>) target(%arg12 : memref<128xi32, #tpu.memory_space<vmem>>) target_semaphore(%run_scoped3A : memref<!tpu.dma_semaphore, #tpu.memory_space<semaphore_mem>>)
        %dma_wait3A_57 = arith.constant 0 : i32
        %dma_wait3A_58 = tpu.memref_slice %arg4[%add3A_45, %dma_wait3A_57] : memref<2500x128xi32, #tpu.memory_space<hbm>> -> memref<1x128xi32, #tpu.memory_space<hbm>>
        %dma_wait3A_59 = tpu.memref_squeeze %dma_wait3A_58 : memref<1x128xi32, #tpu.memory_space<hbm>> -> memref<128xi32, #tpu.memory_space<hbm>>
        %dma_wait3A_60 = arith.constant 0 : i32
        %dma_wait3A_61 = tpu.memref_slice %arg4[%add3A_45, %dma_wait3A_60] : memref<2500x128xi32, #tpu.memory_space<hbm>> -> memref<1x128xi32, #tpu.memory_space<hbm>>
        %dma_wait3A_62 = tpu.memref_squeeze %dma_wait3A_61 : memref<1x128xi32, #tpu.memory_space<hbm>> -> memref<128xi32, #tpu.memory_space<hbm>>
        tpu.wait_dma2 semaphore(%run_scoped3A : memref<!tpu.dma_semaphore, #tpu.memory_space<semaphore_mem>>) src(%dma_wait3A_62 : memref<128xi32, #tpu.memory_space<hbm>>) dst(%arg12 : memref<128xi32, #tpu.memory_space<vmem>>)
        tpu.yield
      }) : () -> ()
      %dma_start3A_46 = arith.constant 0 : i32
      %dma_start3A_47 = arith.constant 0 : i32
      %dma_start3A_48 = tpu.memref_slice %arg2[%dma_start3A_46, %dma_start3A_47] : memref<10000x128xf32, #tpu.memory_space<hbm>> -> memref<10000x128xf32, #tpu.memory_space<hbm>>
      tpu.enqueue_indirect_dma source(%dma_start3A_48 : memref<10000x128xf32, #tpu.memory_space<hbm>>) target(%arg14 : memref<128x128xf32, #tpu.memory_space<vmem>>) offsets(%arg10 : memref<128xi32, #tpu.memory_space<vmem>>) semaphore(%arg21 : memref<!tpu.dma_semaphore, #tpu.memory_space<semaphore_mem>>)
      %dma_wait3A = arith.constant 0 : i32
      %dma_wait3A_49 = arith.constant 0 : i32
      %dma_wait3A_50 = tpu.memref_slice %arg2[%dma_wait3A, %dma_wait3A_49] : memref<10000x128xf32, #tpu.memory_space<hbm>> -> memref<10000x128xf32, #tpu.memory_space<hbm>>
      tpu.wait_indirect_dma semaphore(%arg21 : memref<!tpu.dma_semaphore, #tpu.memory_space<semaphore_mem>>) src(%dma_wait3A_50 : memref<10000x128xf32, #tpu.memory_space<hbm>>) dst(%arg14 : memref<128x128xf32, #tpu.memory_space<vmem>>)
      "tpu.region"() ({
        %run_scoped3A = tpu.sem_alloc : memref<!tpu.dma_semaphore, #tpu.memory_space<semaphore_mem>>
        %dma_start3A_51 = arith.constant 0 : i32
        %dma_start3A_52 = arith.constant 0 : i32
        %dma_start3A_53 = tpu.memref_slice %arg17[%dma_start3A_51, %dma_start3A_52] : memref<10000x128xf32, #tpu.memory_space<vmem_shared>> -> memref<10000x128xf32, #tpu.memory_space<vmem_shared>>
        tpu.enqueue_indirect_dma source(%arg14 : memref<128x128xf32, #tpu.memory_space<vmem>>) target(%dma_start3A_53 : memref<10000x128xf32, #tpu.memory_space<vmem_shared>>) offsets(%arg12 : memref<128xi32, #tpu.memory_space<vmem>>) semaphore(%run_scoped3A : memref<!tpu.dma_semaphore, #tpu.memory_space<semaphore_mem>>) {add = true}
        %dma_wait3A_54 = arith.constant 0 : i32
        %dma_wait3A_55 = arith.constant 0 : i32
        %dma_wait3A_56 = tpu.memref_slice %arg17[%dma_wait3A_54, %dma_wait3A_55] : memref<10000x128xf32, #tpu.memory_space<vmem_shared>> -> memref<10000x128xf32, #tpu.memory_space<vmem_shared>>
        tpu.wait_indirect_dma semaphore(%run_scoped3A : memref<!tpu.dma_semaphore, #tpu.memory_space<semaphore_mem>>) src(%arg14 : memref<128x128xf32, #tpu.memory_space<vmem>>) dst(%dma_wait3A_56 : memref<10000x128xf32, #tpu.memory_space<vmem_shared>>)
        tpu.yield
      }) : () -> ()
      "tpu.region"() ({
        %run_scoped3A = tpu.sem_alloc : memref<!tpu.dma_semaphore, #tpu.memory_space<semaphore_mem>>
        %dma_start3A_51 = arith.constant 0 : i32
        %dma_start3A_52 = arith.constant 0 : i32
        %dma_start3A_53 = tpu.memref_slice %arg18[%dma_start3A_51, %dma_start3A_52] : memref<10000x16xf32, #tpu.memory_space<vmem_shared>> -> memref<10000x16xf32, #tpu.memory_space<vmem_shared>>
        tpu.enqueue_indirect_dma source(%arg16 : memref<128x16xf32, #tpu.memory_space<vmem>>) target(%dma_start3A_53 : memref<10000x16xf32, #tpu.memory_space<vmem_shared>>) offsets(%arg12 : memref<128xi32, #tpu.memory_space<vmem>>) semaphore(%run_scoped3A : memref<!tpu.dma_semaphore, #tpu.memory_space<semaphore_mem>>) {add = true}
        %dma_wait3A_54 = arith.constant 0 : i32
        %dma_wait3A_55 = arith.constant 0 : i32
        %dma_wait3A_56 = tpu.memref_slice %arg18[%dma_wait3A_54, %dma_wait3A_55] : memref<10000x16xf32, #tpu.memory_space<vmem_shared>> -> memref<10000x16xf32, #tpu.memory_space<vmem_shared>>
        tpu.wait_indirect_dma semaphore(%run_scoped3A : memref<!tpu.dma_semaphore, #tpu.memory_space<semaphore_mem>>) src(%arg16 : memref<128x16xf32, #tpu.memory_space<vmem>>) dst(%dma_wait3A_56 : memref<10000x16xf32, #tpu.memory_space<vmem_shared>>)
        tpu.yield
      }) : () -> ()
    } else {
    }
    %barrier3A_38 = arith.constant 0 : index
    tpu.barrier barrier_id(%barrier3A_38)
    "tpu.region"() ({
      %run_scoped3A = tpu.sem_alloc : memref<!tpu.dma_semaphore, #tpu.memory_space<semaphore_mem>>
      %dma_start3A_44 = arith.constant 0 : i32
      %dma_start3A_45 = tpu.memref_slice %arg8[%arg0, %multiple_of3A, %dma_start3A_44] : memref<2x10000x128xf32, #tpu.memory_space<hbm>> -> memref<1x624x128xf32, #tpu.memory_space<hbm>>
      %dma_start3A_46 = tpu.memref_squeeze %dma_start3A_45 : memref<1x624x128xf32, #tpu.memory_space<hbm>> -> memref<624x128xf32, #tpu.memory_space<hbm>>
      %dma_start3A_47 = arith.constant 0 : i32
      %dma_start3A_48 = tpu.memref_slice %arg17[%multiple_of3A, %dma_start3A_47] : memref<10000x128xf32, #tpu.memory_space<vmem_shared>> -> memref<624x128xf32, #tpu.memory_space<vmem_shared>>
      tpu.enqueue_dma source(%dma_start3A_48 : memref<624x128xf32, #tpu.memory_space<vmem_shared>>) target(%dma_start3A_46 : memref<624x128xf32, #tpu.memory_space<hbm>>) target_semaphore(%run_scoped3A : memref<!tpu.dma_semaphore, #tpu.memory_space<semaphore_mem>>)
      %dma_wait3A = arith.constant 0 : i32
      %dma_wait3A_49 = tpu.memref_slice %arg8[%arg0, %multiple_of3A, %dma_wait3A] : memref<2x10000x128xf32, #tpu.memory_space<hbm>> -> memref<1x624x128xf32, #tpu.memory_space<hbm>>
      %dma_wait3A_50 = tpu.memref_squeeze %dma_wait3A_49 : memref<1x624x128xf32, #tpu.memory_space<hbm>> -> memref<624x128xf32, #tpu.memory_space<hbm>>
      %dma_wait3A_51 = arith.constant 0 : i32
      %dma_wait3A_52 = tpu.memref_slice %arg17[%multiple_of3A, %dma_wait3A_51] : memref<10000x128xf32, #tpu.memory_space<vmem_shared>> -> memref<624x128xf32, #tpu.memory_space<vmem_shared>>
      tpu.wait_dma2 semaphore(%run_scoped3A : memref<!tpu.dma_semaphore, #tpu.memory_space<semaphore_mem>>) src(%dma_wait3A_52 : memref<624x128xf32, #tpu.memory_space<vmem_shared>>) dst(%dma_wait3A_50 : memref<624x128xf32, #tpu.memory_space<hbm>>)
      tpu.yield
    }) : () -> ()
    "tpu.region"() ({
      %run_scoped3A = tpu.sem_alloc : memref<!tpu.dma_semaphore, #tpu.memory_space<semaphore_mem>>
      %dma_start3A_44 = arith.constant 0 : i32
      %dma_start3A_45 = tpu.memref_slice %arg9[%arg0, %multiple_of3A, %dma_start3A_44] : memref<2x10000x16xf32, #tpu.memory_space<hbm>> -> memref<1x624x16xf32, #tpu.memory_space<hbm>>
      %dma_start3A_46 = tpu.memref_squeeze %dma_start3A_45 : memref<1x624x16xf32, #tpu.memory_space<hbm>> -> memref<624x16xf32, #tpu.memory_space<hbm>>
      %dma_start3A_47 = arith.constant 0 : i32
      %dma_start3A_48 = tpu.memref_slice %arg18[%multiple_of3A, %dma_start3A_47] : memref<10000x16xf32, #tpu.memory_space<vmem_shared>> -> memref<624x16xf32, #tpu.memory_space<vmem_shared>>
      tpu.enqueue_dma source(%dma_start3A_48 : memref<624x16xf32, #tpu.memory_space<vmem_shared>>) target(%dma_start3A_46 : memref<624x16xf32, #tpu.memory_space<hbm>>) target_semaphore(%run_scoped3A : memref<!tpu.dma_semaphore, #tpu.memory_space<semaphore_mem>>)
      %dma_wait3A = arith.constant 0 : i32
      %dma_wait3A_49 = tpu.memref_slice %arg9[%arg0, %multiple_of3A, %dma_wait3A] : memref<2x10000x16xf32, #tpu.memory_space<hbm>> -> memref<1x624x16xf32, #tpu.memory_space<hbm>>
      %dma_wait3A_50 = tpu.memref_squeeze %dma_wait3A_49 : memref<1x624x16xf32, #tpu.memory_space<hbm>> -> memref<624x16xf32, #tpu.memory_space<hbm>>
      %dma_wait3A_51 = arith.constant 0 : i32
      %dma_wait3A_52 = tpu.memref_slice %arg18[%multiple_of3A, %dma_wait3A_51] : memref<10000x16xf32, #tpu.memory_space<vmem_shared>> -> memref<624x16xf32, #tpu.memory_space<vmem_shared>>
      tpu.wait_dma2 semaphore(%run_scoped3A : memref<!tpu.dma_semaphore, #tpu.memory_space<semaphore_mem>>) src(%dma_wait3A_52 : memref<624x16xf32, #tpu.memory_space<vmem_shared>>) dst(%dma_wait3A_50 : memref<624x16xf32, #tpu.memory_space<hbm>>)
      tpu.yield
    }) : () -> ()
    %eq3A_39 = arith.constant 15 : i32
    %eq3A_40 = arith.cmpi eq, %arg1, %eq3A_39 : i32
    %convert_element_type3A_41 = arith.extui %eq3A_40 : i1 to i32
    %cond3A_42 = arith.constant 0 : i32
    %cond3A_43 = arith.cmpi ne, %convert_element_type3A_41, %cond3A_42 : i32
    scf.if %cond3A_43 {
      "tpu.region"() ({
        %run_scoped3A = tpu.sem_alloc : memref<!tpu.dma_semaphore, #tpu.memory_space<semaphore_mem>>
        %dma_start3A_44 = arith.constant 9984 : i32
        %dma_start3A_45 = arith.constant 0 : i32
        %dma_start3A_46 = tpu.memref_slice %arg8[%arg0, %dma_start3A_44, %dma_start3A_45] : memref<2x10000x128xf32, #tpu.memory_space<hbm>> -> memref<1x16x128xf32, #tpu.memory_space<hbm>>
        %dma_start3A_47 = tpu.memref_squeeze %dma_start3A_46 : memref<1x16x128xf32, #tpu.memory_space<hbm>> -> memref<16x128xf32, #tpu.memory_space<hbm>>
        %dma_start3A_48 = arith.constant 9984 : i32
        %dma_start3A_49 = arith.constant 0 : i32
        %dma_start3A_50 = tpu.memref_slice %arg17[%dma_start3A_48, %dma_start3A_49] : memref<10000x128xf32, #tpu.memory_space<vmem_shared>> -> memref<16x128xf32, #tpu.memory_space<vmem_shared>>
        tpu.enqueue_dma source(%dma_start3A_50 : memref<16x128xf32, #tpu.memory_space<vmem_shared>>) target(%dma_start3A_47 : memref<16x128xf32, #tpu.memory_space<hbm>>) target_semaphore(%run_scoped3A : memref<!tpu.dma_semaphore, #tpu.memory_space<semaphore_mem>>)
        %dma_wait3A = arith.constant 9984 : i32
        %dma_wait3A_51 = arith.constant 0 : i32
        %dma_wait3A_52 = tpu.memref_slice %arg8[%arg0, %dma_wait3A, %dma_wait3A_51] : memref<2x10000x128xf32, #tpu.memory_space<hbm>> -> memref<1x16x128xf32, #tpu.memory_space<hbm>>
        %dma_wait3A_53 = tpu.memref_squeeze %dma_wait3A_52 : memref<1x16x128xf32, #tpu.memory_space<hbm>> -> memref<16x128xf32, #tpu.memory_space<hbm>>
        %dma_wait3A_54 = arith.constant 9984 : i32
        %dma_wait3A_55 = arith.constant 0 : i32
        %dma_wait3A_56 = tpu.memref_slice %arg17[%dma_wait3A_54, %dma_wait3A_55] : memref<10000x128xf32, #tpu.memory_space<vmem_shared>> -> memref<16x128xf32, #tpu.memory_space<vmem_shared>>
        tpu.wait_dma2 semaphore(%run_scoped3A : memref<!tpu.dma_semaphore, #tpu.memory_space<semaphore_mem>>) src(%dma_wait3A_56 : memref<16x128xf32, #tpu.memory_space<vmem_shared>>) dst(%dma_wait3A_53 : memref<16x128xf32, #tpu.memory_space<hbm>>)
        tpu.yield
      }) : () -> ()
      "tpu.region"() ({
        %run_scoped3A = tpu.sem_alloc : memref<!tpu.dma_semaphore, #tpu.memory_space<semaphore_mem>>
        %dma_start3A_44 = arith.constant 9984 : i32
        %dma_start3A_45 = arith.constant 0 : i32
        %dma_start3A_46 = tpu.memref_slice %arg9[%arg0, %dma_start3A_44, %dma_start3A_45] : memref<2x10000x16xf32, #tpu.memory_space<hbm>> -> memref<1x16x16xf32, #tpu.memory_space<hbm>>
        %dma_start3A_47 = tpu.memref_squeeze %dma_start3A_46 : memref<1x16x16xf32, #tpu.memory_space<hbm>> -> memref<16x16xf32, #tpu.memory_space<hbm>>
        %dma_start3A_48 = arith.constant 9984 : i32
        %dma_start3A_49 = arith.constant 0 : i32
        %dma_start3A_50 = tpu.memref_slice %arg18[%dma_start3A_48, %dma_start3A_49] : memref<10000x16xf32, #tpu.memory_space<vmem_shared>> -> memref<16x16xf32, #tpu.memory_space<vmem_shared>>
        tpu.enqueue_dma source(%dma_start3A_50 : memref<16x16xf32, #tpu.memory_space<vmem_shared>>) target(%dma_start3A_47 : memref<16x16xf32, #tpu.memory_space<hbm>>) target_semaphore(%run_scoped3A : memref<!tpu.dma_semaphore, #tpu.memory_space<semaphore_mem>>)
        %dma_wait3A = arith.constant 9984 : i32
        %dma_wait3A_51 = arith.constant 0 : i32
        %dma_wait3A_52 = tpu.memref_slice %arg9[%arg0, %dma_wait3A, %dma_wait3A_51] : memref<2x10000x16xf32, #tpu.memory_space<hbm>> -> memref<1x16x16xf32, #tpu.memory_space<hbm>>
        %dma_wait3A_53 = tpu.memref_squeeze %dma_wait3A_52 : memref<1x16x16xf32, #tpu.memory_space<hbm>> -> memref<16x16xf32, #tpu.memory_space<hbm>>
        %dma_wait3A_54 = arith.constant 9984 : i32
        %dma_wait3A_55 = arith.constant 0 : i32
        %dma_wait3A_56 = tpu.memref_slice %arg18[%dma_wait3A_54, %dma_wait3A_55] : memref<10000x16xf32, #tpu.memory_space<vmem_shared>> -> memref<16x16xf32, #tpu.memory_space<vmem_shared>>
        tpu.wait_dma2 semaphore(%run_scoped3A : memref<!tpu.dma_semaphore, #tpu.memory_space<semaphore_mem>>) src(%dma_wait3A_56 : memref<16x16xf32, #tpu.memory_space<vmem_shared>>) dst(%dma_wait3A_53 : memref<16x16xf32, #tpu.memory_space<hbm>>)
        tpu.yield
      }) : () -> ()
    } else {
    }
    return
  }
}

#map = affine_map<(d0, d1) -> (0, 0)>
#map1 = affine_map<(d0, d1) -> (0, 0, 0)>
module attributes {stable_mosaic.version = 14 : i64} {
  func.func @k(%arg0: i32, %arg1: i32, %arg2: memref<10000x16xf32, #tpu.memory_space<hbm>>, %arg3: memref<2500x128xi32, #tpu.memory_space<hbm>>, %arg4: memref<2500x128xi32, #tpu.memory_space<hbm>>, %arg5: memref<10000x16xf32, #tpu.memory_space<hbm>>, %arg6: memref<2x10000x16xf32, #tpu.memory_space<hbm>>, %arg7: memref<78x128xi32, #tpu.memory_space<vmem>>, %arg8: memref<78x128xi32, #tpu.memory_space<vmem>>, %arg9: memref<128xi32, #tpu.memory_space<vmem>>, %arg10: memref<128xi32, #tpu.memory_space<vmem>>, %arg11: memref<128x16xf32, #tpu.memory_space<vmem>>, %arg12: memref<128x16xf32, #tpu.memory_space<vmem>>, %arg13: memref<128x16xf32, #tpu.memory_space<vmem>>, %arg14: memref<128x16xf32, #tpu.memory_space<vmem>>, %arg15: memref<128x16xf32, #tpu.memory_space<vmem>>, %arg16: memref<128x16xf32, #tpu.memory_space<vmem>>, %arg17: memref<10000x16xf32, #tpu.memory_space<vmem_shared>>, %arg18: memref<!tpu.dma_semaphore, #tpu.memory_space<semaphore_mem>>, %arg19: memref<!tpu.dma_semaphore, #tpu.memory_space<semaphore_mem>>, %arg20: memref<!tpu.dma_semaphore, #tpu.memory_space<semaphore_mem>>, %arg21: memref<!tpu.dma_semaphore, #tpu.memory_space<semaphore_mem>>, %arg22: memref<!tpu.dma_semaphore, #tpu.memory_space<semaphore_mem>>, %arg23: memref<!tpu.dma_semaphore, #tpu.memory_space<semaphore_mem>>, %arg24: memref<!tpu.dma_semaphore, #tpu.memory_space<semaphore_mem>>, %arg25: memref<!tpu.dma_semaphore, #tpu.memory_space<semaphore_mem>>, %arg26: memref<!tpu.dma_semaphore, #tpu.memory_space<semaphore_mem>>, %arg27: memref<!tpu.dma_semaphore, #tpu.memory_space<semaphore_mem>>, %arg28: memref<!tpu.dma_semaphore, #tpu.memory_space<semaphore_mem>>, %arg29: memref<!tpu.dma_semaphore, #tpu.memory_space<semaphore_mem>>, %arg30: memref<!tpu.dma_semaphore, #tpu.memory_space<semaphore_mem>>) attributes {dimension_semantics = [#tpu.dimension_semantics<core_parallel>, #tpu.dimension_semantics<subcore_parallel>], iteration_bounds = array<i64: 2, 16>, scalar_prefetch = 0 : i64, scratch_operands = 24 : i64, tpu.core_type = #tpu.core_type<sc_vector_subcore>, window_params = [{transform_indices = #map}, {transform_indices = #map}, {transform_indices = #map}, {transform_indices = #map}, {transform_indices = #map1}]} {
    %mul3A = arith.constant 2 : i32
    %mul3A_0 = arith.muli %arg1, %mul3A : i32
    %add3A = arith.addi %mul3A_0, %arg0 : i32
    %mul3A_1 = arith.constant 624 : i32
    %mul3A_2 = arith.muli %arg1, %mul3A_1 : i32
    %multiple_of3A = tpu.assume_multiple %mul3A_2, 8 : i32
    "tpu.region"() ({
      %run_scoped3A = tpu.sem_alloc : memref<!tpu.dma_semaphore, #tpu.memory_space<semaphore_mem>>
      %dma_start3A_63 = arith.constant 0 : i32
      %dma_start3A_64 = tpu.memref_slice %arg17[%multiple_of3A, %dma_start3A_63] : memref<10000x16xf32, #tpu.memory_space<vmem_shared>> -> memref<624x16xf32, #tpu.memory_space<vmem_shared>>
      %dma_start3A_65 = arith.constant 0 : i32
      %dma_start3A_66 = tpu.memref_slice %arg5[%multiple_of3A, %dma_start3A_65] : memref<10000x16xf32, #tpu.memory_space<hbm>> -> memref<624x16xf32, #tpu.memory_space<hbm>>
      tpu.enqueue_dma source(%dma_start3A_66 : memref<624x16xf32, #tpu.memory_space<hbm>>) target(%dma_start3A_64 : memref<624x16xf32, #tpu.memory_space<vmem_shared>>) target_semaphore(%run_scoped3A : memref<!tpu.dma_semaphore, #tpu.memory_space<semaphore_mem>>)
      %dma_wait3A = arith.constant 0 : i32
      %dma_wait3A_67 = tpu.memref_slice %arg17[%multiple_of3A, %dma_wait3A] : memref<10000x16xf32, #tpu.memory_space<vmem_shared>> -> memref<624x16xf32, #tpu.memory_space<vmem_shared>>
      %dma_wait3A_68 = arith.constant 0 : i32
      %dma_wait3A_69 = tpu.memref_slice %arg5[%multiple_of3A, %dma_wait3A_68] : memref<10000x16xf32, #tpu.memory_space<hbm>> -> memref<624x16xf32, #tpu.memory_space<hbm>>
      tpu.wait_dma2 semaphore(%run_scoped3A : memref<!tpu.dma_semaphore, #tpu.memory_space<semaphore_mem>>) src(%dma_wait3A_69 : memref<624x16xf32, #tpu.memory_space<hbm>>) dst(%dma_wait3A_67 : memref<624x16xf32, #tpu.memory_space<vmem_shared>>)
      tpu.yield
    }) : () -> ()
    %eq3A = arith.constant 15 : i32
    %eq3A_3 = arith.cmpi eq, %arg1, %eq3A : i32
    %convert_element_type3A = arith.extui %eq3A_3 : i1 to i32
    %cond3A = arith.constant 0 : i32
    %cond3A_4 = arith.cmpi ne, %convert_element_type3A, %cond3A : i32
    scf.if %cond3A_4 {
      "tpu.region"() ({
        %run_scoped3A = tpu.sem_alloc : memref<!tpu.dma_semaphore, #tpu.memory_space<semaphore_mem>>
        %dma_start3A_63 = arith.constant 9984 : i32
        %dma_start3A_64 = arith.constant 0 : i32
        %dma_start3A_65 = tpu.memref_slice %arg17[%dma_start3A_63, %dma_start3A_64] : memref<10000x16xf32, #tpu.memory_space<vmem_shared>> -> memref<16x16xf32, #tpu.memory_space<vmem_shared>>
        %dma_start3A_66 = arith.constant 9984 : i32
        %dma_start3A_67 = arith.constant 0 : i32
        %dma_start3A_68 = tpu.memref_slice %arg5[%dma_start3A_66, %dma_start3A_67] : memref<10000x16xf32, #tpu.memory_space<hbm>> -> memref<16x16xf32, #tpu.memory_space<hbm>>
        tpu.enqueue_dma source(%dma_start3A_68 : memref<16x16xf32, #tpu.memory_space<hbm>>) target(%dma_start3A_65 : memref<16x16xf32, #tpu.memory_space<vmem_shared>>) target_semaphore(%run_scoped3A : memref<!tpu.dma_semaphore, #tpu.memory_space<semaphore_mem>>)
        %dma_wait3A = arith.constant 9984 : i32
        %dma_wait3A_69 = arith.constant 0 : i32
        %dma_wait3A_70 = tpu.memref_slice %arg17[%dma_wait3A, %dma_wait3A_69] : memref<10000x16xf32, #tpu.memory_space<vmem_shared>> -> memref<16x16xf32, #tpu.memory_space<vmem_shared>>
        %dma_wait3A_71 = arith.constant 9984 : i32
        %dma_wait3A_72 = arith.constant 0 : i32
        %dma_wait3A_73 = tpu.memref_slice %arg5[%dma_wait3A_71, %dma_wait3A_72] : memref<10000x16xf32, #tpu.memory_space<hbm>> -> memref<16x16xf32, #tpu.memory_space<hbm>>
        tpu.wait_dma2 semaphore(%run_scoped3A : memref<!tpu.dma_semaphore, #tpu.memory_space<semaphore_mem>>) src(%dma_wait3A_73 : memref<16x16xf32, #tpu.memory_space<hbm>>) dst(%dma_wait3A_70 : memref<16x16xf32, #tpu.memory_space<vmem_shared>>)
        tpu.yield
      }) : () -> ()
    } else {
    }
    %mul3A_5 = arith.constant 78 : i32
    %mul3A_6 = arith.muli %add3A, %mul3A_5 : i32
    "tpu.region"() ({
      %run_scoped3A = tpu.sem_alloc : memref<!tpu.dma_semaphore, #tpu.memory_space<semaphore_mem>>
      %dma_start3A_63 = arith.constant 0 : i32
      %dma_start3A_64 = tpu.memref_slice %arg3[%mul3A_6, %dma_start3A_63] : memref<2500x128xi32, #tpu.memory_space<hbm>> -> memref<78x128xi32, #tpu.memory_space<hbm>>
      %dma_start3A_65 = arith.constant 0 : i32
      %dma_start3A_66 = tpu.memref_slice %arg3[%mul3A_6, %dma_start3A_65] : memref<2500x128xi32, #tpu.memory_space<hbm>> -> memref<78x128xi32, #tpu.memory_space<hbm>>
      tpu.enqueue_dma source(%dma_start3A_66 : memref<78x128xi32, #tpu.memory_space<hbm>>) target(%arg7 : memref<78x128xi32, #tpu.memory_space<vmem>>) target_semaphore(%run_scoped3A : memref<!tpu.dma_semaphore, #tpu.memory_space<semaphore_mem>>)
      %dma_wait3A = arith.constant 0 : i32
      %dma_wait3A_67 = tpu.memref_slice %arg3[%mul3A_6, %dma_wait3A] : memref<2500x128xi32, #tpu.memory_space<hbm>> -> memref<78x128xi32, #tpu.memory_space<hbm>>
      %dma_wait3A_68 = arith.constant 0 : i32
      %dma_wait3A_69 = tpu.memref_slice %arg3[%mul3A_6, %dma_wait3A_68] : memref<2500x128xi32, #tpu.memory_space<hbm>> -> memref<78x128xi32, #tpu.memory_space<hbm>>
      tpu.wait_dma2 semaphore(%run_scoped3A : memref<!tpu.dma_semaphore, #tpu.memory_space<semaphore_mem>>) src(%dma_wait3A_69 : memref<78x128xi32, #tpu.memory_space<hbm>>) dst(%arg7 : memref<78x128xi32, #tpu.memory_space<vmem>>)
      tpu.yield
    }) : () -> ()
    "tpu.region"() ({
      %run_scoped3A = tpu.sem_alloc : memref<!tpu.dma_semaphore, #tpu.memory_space<semaphore_mem>>
      %dma_start3A_63 = arith.constant 0 : i32
      %dma_start3A_64 = tpu.memref_slice %arg4[%mul3A_6, %dma_start3A_63] : memref<2500x128xi32, #tpu.memory_space<hbm>> -> memref<78x128xi32, #tpu.memory_space<hbm>>
      %dma_start3A_65 = arith.constant 0 : i32
      %dma_start3A_66 = tpu.memref_slice %arg4[%mul3A_6, %dma_start3A_65] : memref<2500x128xi32, #tpu.memory_space<hbm>> -> memref<78x128xi32, #tpu.memory_space<hbm>>
      tpu.enqueue_dma source(%dma_start3A_66 : memref<78x128xi32, #tpu.memory_space<hbm>>) target(%arg8 : memref<78x128xi32, #tpu.memory_space<vmem>>) target_semaphore(%run_scoped3A : memref<!tpu.dma_semaphore, #tpu.memory_space<semaphore_mem>>)
      %dma_wait3A = arith.constant 0 : i32
      %dma_wait3A_67 = tpu.memref_slice %arg4[%mul3A_6, %dma_wait3A] : memref<2500x128xi32, #tpu.memory_space<hbm>> -> memref<78x128xi32, #tpu.memory_space<hbm>>
      %dma_wait3A_68 = arith.constant 0 : i32
      %dma_wait3A_69 = tpu.memref_slice %arg4[%mul3A_6, %dma_wait3A_68] : memref<2500x128xi32, #tpu.memory_space<hbm>> -> memref<78x128xi32, #tpu.memory_space<hbm>>
      tpu.wait_dma2 semaphore(%run_scoped3A : memref<!tpu.dma_semaphore, #tpu.memory_space<semaphore_mem>>) src(%dma_wait3A_69 : memref<78x128xi32, #tpu.memory_space<hbm>>) dst(%arg8 : memref<78x128xi32, #tpu.memory_space<vmem>>)
      tpu.yield
    }) : () -> ()
    %barrier3A = arith.constant 0 : index
    tpu.barrier barrier_id(%barrier3A)
    %dma_start3A = arith.constant 0 : i32
    %dma_start3A_7 = arith.constant 0 : i32
    %dma_start3A_8 = tpu.memref_slice %arg7[%dma_start3A, %dma_start3A_7] : memref<78x128xi32, #tpu.memory_space<vmem>> -> memref<1x128xi32, #tpu.memory_space<vmem>>
    %dma_start3A_9 = tpu.memref_squeeze %dma_start3A_8 : memref<1x128xi32, #tpu.memory_space<vmem>> -> memref<128xi32, #tpu.memory_space<vmem>>
    %dma_start3A_10 = arith.constant 0 : i32
    %dma_start3A_11 = arith.constant 0 : i32
    %dma_start3A_12 = tpu.memref_slice %arg2[%dma_start3A_10, %dma_start3A_11] : memref<10000x16xf32, #tpu.memory_space<hbm>> -> memref<10000x16xf32, #tpu.memory_space<hbm>>
    tpu.enqueue_indirect_dma source(%dma_start3A_12 : memref<10000x16xf32, #tpu.memory_space<hbm>>) target(%arg11 : memref<128x16xf32, #tpu.memory_space<vmem>>) offsets(%dma_start3A_9 : memref<128xi32, #tpu.memory_space<vmem>>) semaphore(%arg18 : memref<!tpu.dma_semaphore, #tpu.memory_space<semaphore_mem>>)
    %dma_start3A_13 = arith.constant 1 : i32
    %dma_start3A_14 = arith.constant 0 : i32
    %dma_start3A_15 = tpu.memref_slice %arg7[%dma_start3A_13, %dma_start3A_14] : memref<78x128xi32, #tpu.memory_space<vmem>> -> memref<1x128xi32, #tpu.memory_space<vmem>>
    %dma_start3A_16 = tpu.memref_squeeze %dma_start3A_15 : memref<1x128xi32, #tpu.memory_space<vmem>> -> memref<128xi32, #tpu.memory_space<vmem>>
    %dma_start3A_17 = arith.constant 0 : i32
    %dma_start3A_18 = arith.constant 0 : i32
    %dma_start3A_19 = tpu.memref_slice %arg2[%dma_start3A_17, %dma_start3A_18] : memref<10000x16xf32, #tpu.memory_space<hbm>> -> memref<10000x16xf32, #tpu.memory_space<hbm>>
    tpu.enqueue_indirect_dma source(%dma_start3A_19 : memref<10000x16xf32, #tpu.memory_space<hbm>>) target(%arg12 : memref<128x16xf32, #tpu.memory_space<vmem>>) offsets(%dma_start3A_16 : memref<128xi32, #tpu.memory_space<vmem>>) semaphore(%arg19 : memref<!tpu.dma_semaphore, #tpu.memory_space<semaphore_mem>>)
    %dma_start3A_20 = arith.constant 2 : i32
    %dma_start3A_21 = arith.constant 0 : i32
    %dma_start3A_22 = tpu.memref_slice %arg7[%dma_start3A_20, %dma_start3A_21] : memref<78x128xi32, #tpu.memory_space<vmem>> -> memref<1x128xi32, #tpu.memory_space<vmem>>
    %dma_start3A_23 = tpu.memref_squeeze %dma_start3A_22 : memref<1x128xi32, #tpu.memory_space<vmem>> -> memref<128xi32, #tpu.memory_space<vmem>>
    %dma_start3A_24 = arith.constant 0 : i32
    %dma_start3A_25 = arith.constant 0 : i32
    %dma_start3A_26 = tpu.memref_slice %arg2[%dma_start3A_24, %dma_start3A_25] : memref<10000x16xf32, #tpu.memory_space<hbm>> -> memref<10000x16xf32, #tpu.memory_space<hbm>>
    tpu.enqueue_indirect_dma source(%dma_start3A_26 : memref<10000x16xf32, #tpu.memory_space<hbm>>) target(%arg13 : memref<128x16xf32, #tpu.memory_space<vmem>>) offsets(%dma_start3A_23 : memref<128xi32, #tpu.memory_space<vmem>>) semaphore(%arg20 : memref<!tpu.dma_semaphore, #tpu.memory_space<semaphore_mem>>)
    %dma_start3A_27 = arith.constant 3 : i32
    %dma_start3A_28 = arith.constant 0 : i32
    %dma_start3A_29 = tpu.memref_slice %arg7[%dma_start3A_27, %dma_start3A_28] : memref<78x128xi32, #tpu.memory_space<vmem>> -> memref<1x128xi32, #tpu.memory_space<vmem>>
    %dma_start3A_30 = tpu.memref_squeeze %dma_start3A_29 : memref<1x128xi32, #tpu.memory_space<vmem>> -> memref<128xi32, #tpu.memory_space<vmem>>
    %dma_start3A_31 = arith.constant 0 : i32
    %dma_start3A_32 = arith.constant 0 : i32
    %dma_start3A_33 = tpu.memref_slice %arg2[%dma_start3A_31, %dma_start3A_32] : memref<10000x16xf32, #tpu.memory_space<hbm>> -> memref<10000x16xf32, #tpu.memory_space<hbm>>
    tpu.enqueue_indirect_dma source(%dma_start3A_33 : memref<10000x16xf32, #tpu.memory_space<hbm>>) target(%arg14 : memref<128x16xf32, #tpu.memory_space<vmem>>) offsets(%dma_start3A_30 : memref<128xi32, #tpu.memory_space<vmem>>) semaphore(%arg21 : memref<!tpu.dma_semaphore, #tpu.memory_space<semaphore_mem>>)
    %dma_start3A_34 = arith.constant 4 : i32
    %dma_start3A_35 = arith.constant 0 : i32
    %dma_start3A_36 = tpu.memref_slice %arg7[%dma_start3A_34, %dma_start3A_35] : memref<78x128xi32, #tpu.memory_space<vmem>> -> memref<1x128xi32, #tpu.memory_space<vmem>>
    %dma_start3A_37 = tpu.memref_squeeze %dma_start3A_36 : memref<1x128xi32, #tpu.memory_space<vmem>> -> memref<128xi32, #tpu.memory_space<vmem>>
    %dma_start3A_38 = arith.constant 0 : i32
    %dma_start3A_39 = arith.constant 0 : i32
    %dma_start3A_40 = tpu.memref_slice %arg2[%dma_start3A_38, %dma_start3A_39] : memref<10000x16xf32, #tpu.memory_space<hbm>> -> memref<10000x16xf32, #tpu.memory_space<hbm>>
    tpu.enqueue_indirect_dma source(%dma_start3A_40 : memref<10000x16xf32, #tpu.memory_space<hbm>>) target(%arg15 : memref<128x16xf32, #tpu.memory_space<vmem>>) offsets(%dma_start3A_37 : memref<128xi32, #tpu.memory_space<vmem>>) semaphore(%arg22 : memref<!tpu.dma_semaphore, #tpu.memory_space<semaphore_mem>>)
    %dma_start3A_41 = arith.constant 5 : i32
    %dma_start3A_42 = arith.constant 0 : i32
    %dma_start3A_43 = tpu.memref_slice %arg7[%dma_start3A_41, %dma_start3A_42] : memref<78x128xi32, #tpu.memory_space<vmem>> -> memref<1x128xi32, #tpu.memory_space<vmem>>
    %dma_start3A_44 = tpu.memref_squeeze %dma_start3A_43 : memref<1x128xi32, #tpu.memory_space<vmem>> -> memref<128xi32, #tpu.memory_space<vmem>>
    %dma_start3A_45 = arith.constant 0 : i32
    %dma_start3A_46 = arith.constant 0 : i32
    %dma_start3A_47 = tpu.memref_slice %arg2[%dma_start3A_45, %dma_start3A_46] : memref<10000x16xf32, #tpu.memory_space<hbm>> -> memref<10000x16xf32, #tpu.memory_space<hbm>>
    tpu.enqueue_indirect_dma source(%dma_start3A_47 : memref<10000x16xf32, #tpu.memory_space<hbm>>) target(%arg16 : memref<128x16xf32, #tpu.memory_space<vmem>>) offsets(%dma_start3A_44 : memref<128xi32, #tpu.memory_space<vmem>>) semaphore(%arg23 : memref<!tpu.dma_semaphore, #tpu.memory_space<semaphore_mem>>)
    %scan3A = arith.constant 0 : i32
    %scan3A_48 = arith.constant 0 : i32
    %scan3A_49 = arith.constant 13 : i32
    %scan3A_50 = arith.addi %scan3A_48, %scan3A_49 : i32
    %scan3A_51 = arith.constant 1 : i32
    scf.for %scan3A_63 = %scan3A_48 to %scan3A_50 step %scan3A_51  : i32 {
      %mul3A_64 = arith.constant 6 : i32
      %mul3A_65 = arith.muli %scan3A_63, %mul3A_64 : i32
      %add3A_66 = arith.constant 0 : i32
      %add3A_67 = arith.addi %mul3A_65, %add3A_66 : i32
      %dma_wait3A = arith.constant 0 : i32
      %dma_wait3A_68 = arith.constant 0 : i32
      %dma_wait3A_69 = tpu.memref_slice %arg7[%dma_wait3A, %dma_wait3A_68] : memref<78x128xi32, #tpu.memory_space<vmem>> -> memref<1x128xi32, #tpu.memory_space<vmem>>
      %dma_wait3A_70 = tpu.memref_squeeze %dma_wait3A_69 : memref<1x128xi32, #tpu.memory_space<vmem>> -> memref<128xi32, #tpu.memory_space<vmem>>
      %dma_wait3A_71 = arith.constant 0 : i32
      %dma_wait3A_72 = arith.constant 0 : i32
      %dma_wait3A_73 = tpu.memref_slice %arg2[%dma_wait3A_71, %dma_wait3A_72] : memref<10000x16xf32, #tpu.memory_space<hbm>> -> memref<10000x16xf32, #tpu.memory_space<hbm>>
      tpu.wait_indirect_dma semaphore(%arg18 : memref<!tpu.dma_semaphore, #tpu.memory_space<semaphore_mem>>) src(%dma_wait3A_73 : memref<10000x16xf32, #tpu.memory_space<hbm>>) dst(%arg11 : memref<128x16xf32, #tpu.memory_space<vmem>>)
      %dma_start3A_74 = arith.constant 0 : i32
      %dma_start3A_75 = tpu.memref_slice %arg8[%add3A_67, %dma_start3A_74] : memref<78x128xi32, #tpu.memory_space<vmem>> -> memref<1x128xi32, #tpu.memory_space<vmem>>
      %dma_start3A_76 = tpu.memref_squeeze %dma_start3A_75 : memref<1x128xi32, #tpu.memory_space<vmem>> -> memref<128xi32, #tpu.memory_space<vmem>>
      %dma_start3A_77 = arith.constant 0 : i32
      %dma_start3A_78 = arith.constant 0 : i32
      %dma_start3A_79 = tpu.memref_slice %arg17[%dma_start3A_77, %dma_start3A_78] : memref<10000x16xf32, #tpu.memory_space<vmem_shared>> -> memref<10000x16xf32, #tpu.memory_space<vmem_shared>>
      tpu.enqueue_indirect_dma source(%arg11 : memref<128x16xf32, #tpu.memory_space<vmem>>) target(%dma_start3A_79 : memref<10000x16xf32, #tpu.memory_space<vmem_shared>>) offsets(%dma_start3A_76 : memref<128xi32, #tpu.memory_space<vmem>>) semaphore(%arg24 : memref<!tpu.dma_semaphore, #tpu.memory_space<semaphore_mem>>) {add = true}
      %dma_wait3A_80 = arith.constant 0 : i32
      %dma_wait3A_81 = tpu.memref_slice %arg8[%add3A_67, %dma_wait3A_80] : memref<78x128xi32, #tpu.memory_space<vmem>> -> memref<1x128xi32, #tpu.memory_space<vmem>>
      %dma_wait3A_82 = tpu.memref_squeeze %dma_wait3A_81 : memref<1x128xi32, #tpu.memory_space<vmem>> -> memref<128xi32, #tpu.memory_space<vmem>>
      %dma_wait3A_83 = arith.constant 0 : i32
      %dma_wait3A_84 = arith.constant 0 : i32
      %dma_wait3A_85 = tpu.memref_slice %arg17[%dma_wait3A_83, %dma_wait3A_84] : memref<10000x16xf32, #tpu.memory_space<vmem_shared>> -> memref<10000x16xf32, #tpu.memory_space<vmem_shared>>
      tpu.wait_indirect_dma semaphore(%arg24 : memref<!tpu.dma_semaphore, #tpu.memory_space<semaphore_mem>>) src(%arg11 : memref<128x16xf32, #tpu.memory_space<vmem>>) dst(%dma_wait3A_85 : memref<10000x16xf32, #tpu.memory_space<vmem_shared>>)
      %add3A_86 = arith.constant 6 : i32
      %add3A_87 = arith.addi %add3A_67, %add3A_86 : i32
      %lt3A_88 = arith.constant 78 : i32
      %lt3A_89 = arith.cmpi slt, %add3A_87, %lt3A_88 : i32
      %convert_element_type3A_90 = arith.extui %lt3A_89 : i1 to i32
      %cond3A_91 = arith.constant 0 : i32
      %cond3A_92 = arith.cmpi ne, %convert_element_type3A_90, %cond3A_91 : i32
      scf.if %cond3A_92 {
        %add3A_243 = arith.constant 6 : i32
        %add3A_244 = arith.addi %add3A_67, %add3A_243 : i32
        %dma_start3A_245 = arith.constant 0 : i32
        %dma_start3A_246 = tpu.memref_slice %arg7[%add3A_244, %dma_start3A_245] : memref<78x128xi32, #tpu.memory_space<vmem>> -> memref<1x128xi32, #tpu.memory_space<vmem>>
        %dma_start3A_247 = tpu.memref_squeeze %dma_start3A_246 : memref<1x128xi32, #tpu.memory_space<vmem>> -> memref<128xi32, #tpu.memory_space<vmem>>
        %dma_start3A_248 = arith.constant 0 : i32
        %dma_start3A_249 = arith.constant 0 : i32
        %dma_start3A_250 = tpu.memref_slice %arg2[%dma_start3A_248, %dma_start3A_249] : memref<10000x16xf32, #tpu.memory_space<hbm>> -> memref<10000x16xf32, #tpu.memory_space<hbm>>
        tpu.enqueue_indirect_dma source(%dma_start3A_250 : memref<10000x16xf32, #tpu.memory_space<hbm>>) target(%arg11 : memref<128x16xf32, #tpu.memory_space<vmem>>) offsets(%dma_start3A_247 : memref<128xi32, #tpu.memory_space<vmem>>) semaphore(%arg18 : memref<!tpu.dma_semaphore, #tpu.memory_space<semaphore_mem>>)
      } else {
      }
      %mul3A_93 = arith.constant 6 : i32
      %mul3A_94 = arith.muli %scan3A_63, %mul3A_93 : i32
      %add3A_95 = arith.constant 1 : i32
      %add3A_96 = arith.addi %mul3A_94, %add3A_95 : i32
      %dma_wait3A_97 = arith.constant 1 : i32
      %dma_wait3A_98 = arith.constant 0 : i32
      %dma_wait3A_99 = tpu.memref_slice %arg7[%dma_wait3A_97, %dma_wait3A_98] : memref<78x128xi32, #tpu.memory_space<vmem>> -> memref<1x128xi32, #tpu.memory_space<vmem>>
      %dma_wait3A_100 = tpu.memref_squeeze %dma_wait3A_99 : memref<1x128xi32, #tpu.memory_space<vmem>> -> memref<128xi32, #tpu.memory_space<vmem>>
      %dma_wait3A_101 = arith.constant 0 : i32
      %dma_wait3A_102 = arith.constant 0 : i32
      %dma_wait3A_103 = tpu.memref_slice %arg2[%dma_wait3A_101, %dma_wait3A_102] : memref<10000x16xf32, #tpu.memory_space<hbm>> -> memref<10000x16xf32, #tpu.memory_space<hbm>>
      tpu.wait_indirect_dma semaphore(%arg19 : memref<!tpu.dma_semaphore, #tpu.memory_space<semaphore_mem>>) src(%dma_wait3A_103 : memref<10000x16xf32, #tpu.memory_space<hbm>>) dst(%arg12 : memref<128x16xf32, #tpu.memory_space<vmem>>)
      %dma_start3A_104 = arith.constant 0 : i32
      %dma_start3A_105 = tpu.memref_slice %arg8[%add3A_96, %dma_start3A_104] : memref<78x128xi32, #tpu.memory_space<vmem>> -> memref<1x128xi32, #tpu.memory_space<vmem>>
      %dma_start3A_106 = tpu.memref_squeeze %dma_start3A_105 : memref<1x128xi32, #tpu.memory_space<vmem>> -> memref<128xi32, #tpu.memory_space<vmem>>
      %dma_start3A_107 = arith.constant 0 : i32
      %dma_start3A_108 = arith.constant 0 : i32
      %dma_start3A_109 = tpu.memref_slice %arg17[%dma_start3A_107, %dma_start3A_108] : memref<10000x16xf32, #tpu.memory_space<vmem_shared>> -> memref<10000x16xf32, #tpu.memory_space<vmem_shared>>
      tpu.enqueue_indirect_dma source(%arg12 : memref<128x16xf32, #tpu.memory_space<vmem>>) target(%dma_start3A_109 : memref<10000x16xf32, #tpu.memory_space<vmem_shared>>) offsets(%dma_start3A_106 : memref<128xi32, #tpu.memory_space<vmem>>) semaphore(%arg25 : memref<!tpu.dma_semaphore, #tpu.memory_space<semaphore_mem>>) {add = true}
      %dma_wait3A_110 = arith.constant 0 : i32
      %dma_wait3A_111 = tpu.memref_slice %arg8[%add3A_96, %dma_wait3A_110] : memref<78x128xi32, #tpu.memory_space<vmem>> -> memref<1x128xi32, #tpu.memory_space<vmem>>
      %dma_wait3A_112 = tpu.memref_squeeze %dma_wait3A_111 : memref<1x128xi32, #tpu.memory_space<vmem>> -> memref<128xi32, #tpu.memory_space<vmem>>
      %dma_wait3A_113 = arith.constant 0 : i32
      %dma_wait3A_114 = arith.constant 0 : i32
      %dma_wait3A_115 = tpu.memref_slice %arg17[%dma_wait3A_113, %dma_wait3A_114] : memref<10000x16xf32, #tpu.memory_space<vmem_shared>> -> memref<10000x16xf32, #tpu.memory_space<vmem_shared>>
      tpu.wait_indirect_dma semaphore(%arg25 : memref<!tpu.dma_semaphore, #tpu.memory_space<semaphore_mem>>) src(%arg12 : memref<128x16xf32, #tpu.memory_space<vmem>>) dst(%dma_wait3A_115 : memref<10000x16xf32, #tpu.memory_space<vmem_shared>>)
      %add3A_116 = arith.constant 6 : i32
      %add3A_117 = arith.addi %add3A_96, %add3A_116 : i32
      %lt3A_118 = arith.constant 78 : i32
      %lt3A_119 = arith.cmpi slt, %add3A_117, %lt3A_118 : i32
      %convert_element_type3A_120 = arith.extui %lt3A_119 : i1 to i32
      %cond3A_121 = arith.constant 0 : i32
      %cond3A_122 = arith.cmpi ne, %convert_element_type3A_120, %cond3A_121 : i32
      scf.if %cond3A_122 {
        %add3A_243 = arith.constant 6 : i32
        %add3A_244 = arith.addi %add3A_96, %add3A_243 : i32
        %dma_start3A_245 = arith.constant 0 : i32
        %dma_start3A_246 = tpu.memref_slice %arg7[%add3A_244, %dma_start3A_245] : memref<78x128xi32, #tpu.memory_space<vmem>> -> memref<1x128xi32, #tpu.memory_space<vmem>>
        %dma_start3A_247 = tpu.memref_squeeze %dma_start3A_246 : memref<1x128xi32, #tpu.memory_space<vmem>> -> memref<128xi32, #tpu.memory_space<vmem>>
        %dma_start3A_248 = arith.constant 0 : i32
        %dma_start3A_249 = arith.constant 0 : i32
        %dma_start3A_250 = tpu.memref_slice %arg2[%dma_start3A_248, %dma_start3A_249] : memref<10000x16xf32, #tpu.memory_space<hbm>> -> memref<10000x16xf32, #tpu.memory_space<hbm>>
        tpu.enqueue_indirect_dma source(%dma_start3A_250 : memref<10000x16xf32, #tpu.memory_space<hbm>>) target(%arg12 : memref<128x16xf32, #tpu.memory_space<vmem>>) offsets(%dma_start3A_247 : memref<128xi32, #tpu.memory_space<vmem>>) semaphore(%arg19 : memref<!tpu.dma_semaphore, #tpu.memory_space<semaphore_mem>>)
      } else {
      }
      %mul3A_123 = arith.constant 6 : i32
      %mul3A_124 = arith.muli %scan3A_63, %mul3A_123 : i32
      %add3A_125 = arith.constant 2 : i32
      %add3A_126 = arith.addi %mul3A_124, %add3A_125 : i32
      %dma_wait3A_127 = arith.constant 2 : i32
      %dma_wait3A_128 = arith.constant 0 : i32
      %dma_wait3A_129 = tpu.memref_slice %arg7[%dma_wait3A_127, %dma_wait3A_128] : memref<78x128xi32, #tpu.memory_space<vmem>> -> memref<1x128xi32, #tpu.memory_space<vmem>>
      %dma_wait3A_130 = tpu.memref_squeeze %dma_wait3A_129 : memref<1x128xi32, #tpu.memory_space<vmem>> -> memref<128xi32, #tpu.memory_space<vmem>>
      %dma_wait3A_131 = arith.constant 0 : i32
      %dma_wait3A_132 = arith.constant 0 : i32
      %dma_wait3A_133 = tpu.memref_slice %arg2[%dma_wait3A_131, %dma_wait3A_132] : memref<10000x16xf32, #tpu.memory_space<hbm>> -> memref<10000x16xf32, #tpu.memory_space<hbm>>
      tpu.wait_indirect_dma semaphore(%arg20 : memref<!tpu.dma_semaphore, #tpu.memory_space<semaphore_mem>>) src(%dma_wait3A_133 : memref<10000x16xf32, #tpu.memory_space<hbm>>) dst(%arg13 : memref<128x16xf32, #tpu.memory_space<vmem>>)
      %dma_start3A_134 = arith.constant 0 : i32
      %dma_start3A_135 = tpu.memref_slice %arg8[%add3A_126, %dma_start3A_134] : memref<78x128xi32, #tpu.memory_space<vmem>> -> memref<1x128xi32, #tpu.memory_space<vmem>>
      %dma_start3A_136 = tpu.memref_squeeze %dma_start3A_135 : memref<1x128xi32, #tpu.memory_space<vmem>> -> memref<128xi32, #tpu.memory_space<vmem>>
      %dma_start3A_137 = arith.constant 0 : i32
      %dma_start3A_138 = arith.constant 0 : i32
      %dma_start3A_139 = tpu.memref_slice %arg17[%dma_start3A_137, %dma_start3A_138] : memref<10000x16xf32, #tpu.memory_space<vmem_shared>> -> memref<10000x16xf32, #tpu.memory_space<vmem_shared>>
      tpu.enqueue_indirect_dma source(%arg13 : memref<128x16xf32, #tpu.memory_space<vmem>>) target(%dma_start3A_139 : memref<10000x16xf32, #tpu.memory_space<vmem_shared>>) offsets(%dma_start3A_136 : memref<128xi32, #tpu.memory_space<vmem>>) semaphore(%arg26 : memref<!tpu.dma_semaphore, #tpu.memory_space<semaphore_mem>>) {add = true}
      %dma_wait3A_140 = arith.constant 0 : i32
      %dma_wait3A_141 = tpu.memref_slice %arg8[%add3A_126, %dma_wait3A_140] : memref<78x128xi32, #tpu.memory_space<vmem>> -> memref<1x128xi32, #tpu.memory_space<vmem>>
      %dma_wait3A_142 = tpu.memref_squeeze %dma_wait3A_141 : memref<1x128xi32, #tpu.memory_space<vmem>> -> memref<128xi32, #tpu.memory_space<vmem>>
      %dma_wait3A_143 = arith.constant 0 : i32
      %dma_wait3A_144 = arith.constant 0 : i32
      %dma_wait3A_145 = tpu.memref_slice %arg17[%dma_wait3A_143, %dma_wait3A_144] : memref<10000x16xf32, #tpu.memory_space<vmem_shared>> -> memref<10000x16xf32, #tpu.memory_space<vmem_shared>>
      tpu.wait_indirect_dma semaphore(%arg26 : memref<!tpu.dma_semaphore, #tpu.memory_space<semaphore_mem>>) src(%arg13 : memref<128x16xf32, #tpu.memory_space<vmem>>) dst(%dma_wait3A_145 : memref<10000x16xf32, #tpu.memory_space<vmem_shared>>)
      %add3A_146 = arith.constant 6 : i32
      %add3A_147 = arith.addi %add3A_126, %add3A_146 : i32
      %lt3A_148 = arith.constant 78 : i32
      %lt3A_149 = arith.cmpi slt, %add3A_147, %lt3A_148 : i32
      %convert_element_type3A_150 = arith.extui %lt3A_149 : i1 to i32
      %cond3A_151 = arith.constant 0 : i32
      %cond3A_152 = arith.cmpi ne, %convert_element_type3A_150, %cond3A_151 : i32
      scf.if %cond3A_152 {
        %add3A_243 = arith.constant 6 : i32
        %add3A_244 = arith.addi %add3A_126, %add3A_243 : i32
        %dma_start3A_245 = arith.constant 0 : i32
        %dma_start3A_246 = tpu.memref_slice %arg7[%add3A_244, %dma_start3A_245] : memref<78x128xi32, #tpu.memory_space<vmem>> -> memref<1x128xi32, #tpu.memory_space<vmem>>
        %dma_start3A_247 = tpu.memref_squeeze %dma_start3A_246 : memref<1x128xi32, #tpu.memory_space<vmem>> -> memref<128xi32, #tpu.memory_space<vmem>>
        %dma_start3A_248 = arith.constant 0 : i32
        %dma_start3A_249 = arith.constant 0 : i32
        %dma_start3A_250 = tpu.memref_slice %arg2[%dma_start3A_248, %dma_start3A_249] : memref<10000x16xf32, #tpu.memory_space<hbm>> -> memref<10000x16xf32, #tpu.memory_space<hbm>>
        tpu.enqueue_indirect_dma source(%dma_start3A_250 : memref<10000x16xf32, #tpu.memory_space<hbm>>) target(%arg13 : memref<128x16xf32, #tpu.memory_space<vmem>>) offsets(%dma_start3A_247 : memref<128xi32, #tpu.memory_space<vmem>>) semaphore(%arg20 : memref<!tpu.dma_semaphore, #tpu.memory_space<semaphore_mem>>)
      } else {
      }
      %mul3A_153 = arith.constant 6 : i32
      %mul3A_154 = arith.muli %scan3A_63, %mul3A_153 : i32
      %add3A_155 = arith.constant 3 : i32
      %add3A_156 = arith.addi %mul3A_154, %add3A_155 : i32
      %dma_wait3A_157 = arith.constant 3 : i32
      %dma_wait3A_158 = arith.constant 0 : i32
      %dma_wait3A_159 = tpu.memref_slice %arg7[%dma_wait3A_157, %dma_wait3A_158] : memref<78x128xi32, #tpu.memory_space<vmem>> -> memref<1x128xi32, #tpu.memory_space<vmem>>
      %dma_wait3A_160 = tpu.memref_squeeze %dma_wait3A_159 : memref<1x128xi32, #tpu.memory_space<vmem>> -> memref<128xi32, #tpu.memory_space<vmem>>
      %dma_wait3A_161 = arith.constant 0 : i32
      %dma_wait3A_162 = arith.constant 0 : i32
      %dma_wait3A_163 = tpu.memref_slice %arg2[%dma_wait3A_161, %dma_wait3A_162] : memref<10000x16xf32, #tpu.memory_space<hbm>> -> memref<10000x16xf32, #tpu.memory_space<hbm>>
      tpu.wait_indirect_dma semaphore(%arg21 : memref<!tpu.dma_semaphore, #tpu.memory_space<semaphore_mem>>) src(%dma_wait3A_163 : memref<10000x16xf32, #tpu.memory_space<hbm>>) dst(%arg14 : memref<128x16xf32, #tpu.memory_space<vmem>>)
      %dma_start3A_164 = arith.constant 0 : i32
      %dma_start3A_165 = tpu.memref_slice %arg8[%add3A_156, %dma_start3A_164] : memref<78x128xi32, #tpu.memory_space<vmem>> -> memref<1x128xi32, #tpu.memory_space<vmem>>
      %dma_start3A_166 = tpu.memref_squeeze %dma_start3A_165 : memref<1x128xi32, #tpu.memory_space<vmem>> -> memref<128xi32, #tpu.memory_space<vmem>>
      %dma_start3A_167 = arith.constant 0 : i32
      %dma_start3A_168 = arith.constant 0 : i32
      %dma_start3A_169 = tpu.memref_slice %arg17[%dma_start3A_167, %dma_start3A_168] : memref<10000x16xf32, #tpu.memory_space<vmem_shared>> -> memref<10000x16xf32, #tpu.memory_space<vmem_shared>>
      tpu.enqueue_indirect_dma source(%arg14 : memref<128x16xf32, #tpu.memory_space<vmem>>) target(%dma_start3A_169 : memref<10000x16xf32, #tpu.memory_space<vmem_shared>>) offsets(%dma_start3A_166 : memref<128xi32, #tpu.memory_space<vmem>>) semaphore(%arg27 : memref<!tpu.dma_semaphore, #tpu.memory_space<semaphore_mem>>) {add = true}
      %dma_wait3A_170 = arith.constant 0 : i32
      %dma_wait3A_171 = tpu.memref_slice %arg8[%add3A_156, %dma_wait3A_170] : memref<78x128xi32, #tpu.memory_space<vmem>> -> memref<1x128xi32, #tpu.memory_space<vmem>>
      %dma_wait3A_172 = tpu.memref_squeeze %dma_wait3A_171 : memref<1x128xi32, #tpu.memory_space<vmem>> -> memref<128xi32, #tpu.memory_space<vmem>>
      %dma_wait3A_173 = arith.constant 0 : i32
      %dma_wait3A_174 = arith.constant 0 : i32
      %dma_wait3A_175 = tpu.memref_slice %arg17[%dma_wait3A_173, %dma_wait3A_174] : memref<10000x16xf32, #tpu.memory_space<vmem_shared>> -> memref<10000x16xf32, #tpu.memory_space<vmem_shared>>
      tpu.wait_indirect_dma semaphore(%arg27 : memref<!tpu.dma_semaphore, #tpu.memory_space<semaphore_mem>>) src(%arg14 : memref<128x16xf32, #tpu.memory_space<vmem>>) dst(%dma_wait3A_175 : memref<10000x16xf32, #tpu.memory_space<vmem_shared>>)
      %add3A_176 = arith.constant 6 : i32
      %add3A_177 = arith.addi %add3A_156, %add3A_176 : i32
      %lt3A_178 = arith.constant 78 : i32
      %lt3A_179 = arith.cmpi slt, %add3A_177, %lt3A_178 : i32
      %convert_element_type3A_180 = arith.extui %lt3A_179 : i1 to i32
      %cond3A_181 = arith.constant 0 : i32
      %cond3A_182 = arith.cmpi ne, %convert_element_type3A_180, %cond3A_181 : i32
      scf.if %cond3A_182 {
        %add3A_243 = arith.constant 6 : i32
        %add3A_244 = arith.addi %add3A_156, %add3A_243 : i32
        %dma_start3A_245 = arith.constant 0 : i32
        %dma_start3A_246 = tpu.memref_slice %arg7[%add3A_244, %dma_start3A_245] : memref<78x128xi32, #tpu.memory_space<vmem>> -> memref<1x128xi32, #tpu.memory_space<vmem>>
        %dma_start3A_247 = tpu.memref_squeeze %dma_start3A_246 : memref<1x128xi32, #tpu.memory_space<vmem>> -> memref<128xi32, #tpu.memory_space<vmem>>
        %dma_start3A_248 = arith.constant 0 : i32
        %dma_start3A_249 = arith.constant 0 : i32
        %dma_start3A_250 = tpu.memref_slice %arg2[%dma_start3A_248, %dma_start3A_249] : memref<10000x16xf32, #tpu.memory_space<hbm>> -> memref<10000x16xf32, #tpu.memory_space<hbm>>
        tpu.enqueue_indirect_dma source(%dma_start3A_250 : memref<10000x16xf32, #tpu.memory_space<hbm>>) target(%arg14 : memref<128x16xf32, #tpu.memory_space<vmem>>) offsets(%dma_start3A_247 : memref<128xi32, #tpu.memory_space<vmem>>) semaphore(%arg21 : memref<!tpu.dma_semaphore, #tpu.memory_space<semaphore_mem>>)
      } else {
      }
      %mul3A_183 = arith.constant 6 : i32
      %mul3A_184 = arith.muli %scan3A_63, %mul3A_183 : i32
      %add3A_185 = arith.constant 4 : i32
      %add3A_186 = arith.addi %mul3A_184, %add3A_185 : i32
      %dma_wait3A_187 = arith.constant 4 : i32
      %dma_wait3A_188 = arith.constant 0 : i32
      %dma_wait3A_189 = tpu.memref_slice %arg7[%dma_wait3A_187, %dma_wait3A_188] : memref<78x128xi32, #tpu.memory_space<vmem>> -> memref<1x128xi32, #tpu.memory_space<vmem>>
      %dma_wait3A_190 = tpu.memref_squeeze %dma_wait3A_189 : memref<1x128xi32, #tpu.memory_space<vmem>> -> memref<128xi32, #tpu.memory_space<vmem>>
      %dma_wait3A_191 = arith.constant 0 : i32
      %dma_wait3A_192 = arith.constant 0 : i32
      %dma_wait3A_193 = tpu.memref_slice %arg2[%dma_wait3A_191, %dma_wait3A_192] : memref<10000x16xf32, #tpu.memory_space<hbm>> -> memref<10000x16xf32, #tpu.memory_space<hbm>>
      tpu.wait_indirect_dma semaphore(%arg22 : memref<!tpu.dma_semaphore, #tpu.memory_space<semaphore_mem>>) src(%dma_wait3A_193 : memref<10000x16xf32, #tpu.memory_space<hbm>>) dst(%arg15 : memref<128x16xf32, #tpu.memory_space<vmem>>)
      %dma_start3A_194 = arith.constant 0 : i32
      %dma_start3A_195 = tpu.memref_slice %arg8[%add3A_186, %dma_start3A_194] : memref<78x128xi32, #tpu.memory_space<vmem>> -> memref<1x128xi32, #tpu.memory_space<vmem>>
      %dma_start3A_196 = tpu.memref_squeeze %dma_start3A_195 : memref<1x128xi32, #tpu.memory_space<vmem>> -> memref<128xi32, #tpu.memory_space<vmem>>
      %dma_start3A_197 = arith.constant 0 : i32
      %dma_start3A_198 = arith.constant 0 : i32
      %dma_start3A_199 = tpu.memref_slice %arg17[%dma_start3A_197, %dma_start3A_198] : memref<10000x16xf32, #tpu.memory_space<vmem_shared>> -> memref<10000x16xf32, #tpu.memory_space<vmem_shared>>
      tpu.enqueue_indirect_dma source(%arg15 : memref<128x16xf32, #tpu.memory_space<vmem>>) target(%dma_start3A_199 : memref<10000x16xf32, #tpu.memory_space<vmem_shared>>) offsets(%dma_start3A_196 : memref<128xi32, #tpu.memory_space<vmem>>) semaphore(%arg28 : memref<!tpu.dma_semaphore, #tpu.memory_space<semaphore_mem>>) {add = true}
      %dma_wait3A_200 = arith.constant 0 : i32
      %dma_wait3A_201 = tpu.memref_slice %arg8[%add3A_186, %dma_wait3A_200] : memref<78x128xi32, #tpu.memory_space<vmem>> -> memref<1x128xi32, #tpu.memory_space<vmem>>
      %dma_wait3A_202 = tpu.memref_squeeze %dma_wait3A_201 : memref<1x128xi32, #tpu.memory_space<vmem>> -> memref<128xi32, #tpu.memory_space<vmem>>
      %dma_wait3A_203 = arith.constant 0 : i32
      %dma_wait3A_204 = arith.constant 0 : i32
      %dma_wait3A_205 = tpu.memref_slice %arg17[%dma_wait3A_203, %dma_wait3A_204] : memref<10000x16xf32, #tpu.memory_space<vmem_shared>> -> memref<10000x16xf32, #tpu.memory_space<vmem_shared>>
      tpu.wait_indirect_dma semaphore(%arg28 : memref<!tpu.dma_semaphore, #tpu.memory_space<semaphore_mem>>) src(%arg15 : memref<128x16xf32, #tpu.memory_space<vmem>>) dst(%dma_wait3A_205 : memref<10000x16xf32, #tpu.memory_space<vmem_shared>>)
      %add3A_206 = arith.constant 6 : i32
      %add3A_207 = arith.addi %add3A_186, %add3A_206 : i32
      %lt3A_208 = arith.constant 78 : i32
      %lt3A_209 = arith.cmpi slt, %add3A_207, %lt3A_208 : i32
      %convert_element_type3A_210 = arith.extui %lt3A_209 : i1 to i32
      %cond3A_211 = arith.constant 0 : i32
      %cond3A_212 = arith.cmpi ne, %convert_element_type3A_210, %cond3A_211 : i32
      scf.if %cond3A_212 {
        %add3A_243 = arith.constant 6 : i32
        %add3A_244 = arith.addi %add3A_186, %add3A_243 : i32
        %dma_start3A_245 = arith.constant 0 : i32
        %dma_start3A_246 = tpu.memref_slice %arg7[%add3A_244, %dma_start3A_245] : memref<78x128xi32, #tpu.memory_space<vmem>> -> memref<1x128xi32, #tpu.memory_space<vmem>>
        %dma_start3A_247 = tpu.memref_squeeze %dma_start3A_246 : memref<1x128xi32, #tpu.memory_space<vmem>> -> memref<128xi32, #tpu.memory_space<vmem>>
        %dma_start3A_248 = arith.constant 0 : i32
        %dma_start3A_249 = arith.constant 0 : i32
        %dma_start3A_250 = tpu.memref_slice %arg2[%dma_start3A_248, %dma_start3A_249] : memref<10000x16xf32, #tpu.memory_space<hbm>> -> memref<10000x16xf32, #tpu.memory_space<hbm>>
        tpu.enqueue_indirect_dma source(%dma_start3A_250 : memref<10000x16xf32, #tpu.memory_space<hbm>>) target(%arg15 : memref<128x16xf32, #tpu.memory_space<vmem>>) offsets(%dma_start3A_247 : memref<128xi32, #tpu.memory_space<vmem>>) semaphore(%arg22 : memref<!tpu.dma_semaphore, #tpu.memory_space<semaphore_mem>>)
      } else {
      }
      %mul3A_213 = arith.constant 6 : i32
      %mul3A_214 = arith.muli %scan3A_63, %mul3A_213 : i32
      %add3A_215 = arith.constant 5 : i32
      %add3A_216 = arith.addi %mul3A_214, %add3A_215 : i32
      %dma_wait3A_217 = arith.constant 5 : i32
      %dma_wait3A_218 = arith.constant 0 : i32
      %dma_wait3A_219 = tpu.memref_slice %arg7[%dma_wait3A_217, %dma_wait3A_218] : memref<78x128xi32, #tpu.memory_space<vmem>> -> memref<1x128xi32, #tpu.memory_space<vmem>>
      %dma_wait3A_220 = tpu.memref_squeeze %dma_wait3A_219 : memref<1x128xi32, #tpu.memory_space<vmem>> -> memref<128xi32, #tpu.memory_space<vmem>>
      %dma_wait3A_221 = arith.constant 0 : i32
      %dma_wait3A_222 = arith.constant 0 : i32
      %dma_wait3A_223 = tpu.memref_slice %arg2[%dma_wait3A_221, %dma_wait3A_222] : memref<10000x16xf32, #tpu.memory_space<hbm>> -> memref<10000x16xf32, #tpu.memory_space<hbm>>
      tpu.wait_indirect_dma semaphore(%arg23 : memref<!tpu.dma_semaphore, #tpu.memory_space<semaphore_mem>>) src(%dma_wait3A_223 : memref<10000x16xf32, #tpu.memory_space<hbm>>) dst(%arg16 : memref<128x16xf32, #tpu.memory_space<vmem>>)
      %dma_start3A_224 = arith.constant 0 : i32
      %dma_start3A_225 = tpu.memref_slice %arg8[%add3A_216, %dma_start3A_224] : memref<78x128xi32, #tpu.memory_space<vmem>> -> memref<1x128xi32, #tpu.memory_space<vmem>>
      %dma_start3A_226 = tpu.memref_squeeze %dma_start3A_225 : memref<1x128xi32, #tpu.memory_space<vmem>> -> memref<128xi32, #tpu.memory_space<vmem>>
      %dma_start3A_227 = arith.constant 0 : i32
      %dma_start3A_228 = arith.constant 0 : i32
      %dma_start3A_229 = tpu.memref_slice %arg17[%dma_start3A_227, %dma_start3A_228] : memref<10000x16xf32, #tpu.memory_space<vmem_shared>> -> memref<10000x16xf32, #tpu.memory_space<vmem_shared>>
      tpu.enqueue_indirect_dma source(%arg16 : memref<128x16xf32, #tpu.memory_space<vmem>>) target(%dma_start3A_229 : memref<10000x16xf32, #tpu.memory_space<vmem_shared>>) offsets(%dma_start3A_226 : memref<128xi32, #tpu.memory_space<vmem>>) semaphore(%arg29 : memref<!tpu.dma_semaphore, #tpu.memory_space<semaphore_mem>>) {add = true}
      %dma_wait3A_230 = arith.constant 0 : i32
      %dma_wait3A_231 = tpu.memref_slice %arg8[%add3A_216, %dma_wait3A_230] : memref<78x128xi32, #tpu.memory_space<vmem>> -> memref<1x128xi32, #tpu.memory_space<vmem>>
      %dma_wait3A_232 = tpu.memref_squeeze %dma_wait3A_231 : memref<1x128xi32, #tpu.memory_space<vmem>> -> memref<128xi32, #tpu.memory_space<vmem>>
      %dma_wait3A_233 = arith.constant 0 : i32
      %dma_wait3A_234 = arith.constant 0 : i32
      %dma_wait3A_235 = tpu.memref_slice %arg17[%dma_wait3A_233, %dma_wait3A_234] : memref<10000x16xf32, #tpu.memory_space<vmem_shared>> -> memref<10000x16xf32, #tpu.memory_space<vmem_shared>>
      tpu.wait_indirect_dma semaphore(%arg29 : memref<!tpu.dma_semaphore, #tpu.memory_space<semaphore_mem>>) src(%arg16 : memref<128x16xf32, #tpu.memory_space<vmem>>) dst(%dma_wait3A_235 : memref<10000x16xf32, #tpu.memory_space<vmem_shared>>)
      %add3A_236 = arith.constant 6 : i32
      %add3A_237 = arith.addi %add3A_216, %add3A_236 : i32
      %lt3A_238 = arith.constant 78 : i32
      %lt3A_239 = arith.cmpi slt, %add3A_237, %lt3A_238 : i32
      %convert_element_type3A_240 = arith.extui %lt3A_239 : i1 to i32
      %cond3A_241 = arith.constant 0 : i32
      %cond3A_242 = arith.cmpi ne, %convert_element_type3A_240, %cond3A_241 : i32
      scf.if %cond3A_242 {
        %add3A_243 = arith.constant 6 : i32
        %add3A_244 = arith.addi %add3A_216, %add3A_243 : i32
        %dma_start3A_245 = arith.constant 0 : i32
        %dma_start3A_246 = tpu.memref_slice %arg7[%add3A_244, %dma_start3A_245] : memref<78x128xi32, #tpu.memory_space<vmem>> -> memref<1x128xi32, #tpu.memory_space<vmem>>
        %dma_start3A_247 = tpu.memref_squeeze %dma_start3A_246 : memref<1x128xi32, #tpu.memory_space<vmem>> -> memref<128xi32, #tpu.memory_space<vmem>>
        %dma_start3A_248 = arith.constant 0 : i32
        %dma_start3A_249 = arith.constant 0 : i32
        %dma_start3A_250 = tpu.memref_slice %arg2[%dma_start3A_248, %dma_start3A_249] : memref<10000x16xf32, #tpu.memory_space<hbm>> -> memref<10000x16xf32, #tpu.memory_space<hbm>>
        tpu.enqueue_indirect_dma source(%dma_start3A_250 : memref<10000x16xf32, #tpu.memory_space<hbm>>) target(%arg16 : memref<128x16xf32, #tpu.memory_space<vmem>>) offsets(%dma_start3A_247 : memref<128xi32, #tpu.memory_space<vmem>>) semaphore(%arg23 : memref<!tpu.dma_semaphore, #tpu.memory_space<semaphore_mem>>)
      } else {
      }
    }
    %scan3A_52 = arith.constant 13 : i32
    %lt3A = arith.constant 4 : i32
    %lt3A_53 = arith.cmpi slt, %add3A, %lt3A : i32
    %convert_element_type3A_54 = arith.extui %lt3A_53 : i1 to i32
    %cond3A_55 = arith.constant 0 : i32
    %cond3A_56 = arith.cmpi ne, %convert_element_type3A_54, %cond3A_55 : i32
    scf.if %cond3A_56 {
      %add3A_63 = arith.constant 2496 : i32
      %add3A_64 = arith.addi %add3A_63, %add3A : i32
      "tpu.region"() ({
        %run_scoped3A = tpu.sem_alloc : memref<!tpu.dma_semaphore, #tpu.memory_space<semaphore_mem>>
        %dma_start3A_70 = arith.constant 0 : i32
        %dma_start3A_71 = tpu.memref_slice %arg3[%add3A_64, %dma_start3A_70] : memref<2500x128xi32, #tpu.memory_space<hbm>> -> memref<1x128xi32, #tpu.memory_space<hbm>>
        %dma_start3A_72 = tpu.memref_squeeze %dma_start3A_71 : memref<1x128xi32, #tpu.memory_space<hbm>> -> memref<128xi32, #tpu.memory_space<hbm>>
        %dma_start3A_73 = arith.constant 0 : i32
        %dma_start3A_74 = tpu.memref_slice %arg3[%add3A_64, %dma_start3A_73] : memref<2500x128xi32, #tpu.memory_space<hbm>> -> memref<1x128xi32, #tpu.memory_space<hbm>>
        %dma_start3A_75 = tpu.memref_squeeze %dma_start3A_74 : memref<1x128xi32, #tpu.memory_space<hbm>> -> memref<128xi32, #tpu.memory_space<hbm>>
        tpu.enqueue_dma source(%dma_start3A_75 : memref<128xi32, #tpu.memory_space<hbm>>) target(%arg9 : memref<128xi32, #tpu.memory_space<vmem>>) target_semaphore(%run_scoped3A : memref<!tpu.dma_semaphore, #tpu.memory_space<semaphore_mem>>)
        %dma_wait3A_76 = arith.constant 0 : i32
        %dma_wait3A_77 = tpu.memref_slice %arg3[%add3A_64, %dma_wait3A_76] : memref<2500x128xi32, #tpu.memory_space<hbm>> -> memref<1x128xi32, #tpu.memory_space<hbm>>
        %dma_wait3A_78 = tpu.memref_squeeze %dma_wait3A_77 : memref<1x128xi32, #tpu.memory_space<hbm>> -> memref<128xi32, #tpu.memory_space<hbm>>
        %dma_wait3A_79 = arith.constant 0 : i32
        %dma_wait3A_80 = tpu.memref_slice %arg3[%add3A_64, %dma_wait3A_79] : memref<2500x128xi32, #tpu.memory_space<hbm>> -> memref<1x128xi32, #tpu.memory_space<hbm>>
        %dma_wait3A_81 = tpu.memref_squeeze %dma_wait3A_80 : memref<1x128xi32, #tpu.memory_space<hbm>> -> memref<128xi32, #tpu.memory_space<hbm>>
        tpu.wait_dma2 semaphore(%run_scoped3A : memref<!tpu.dma_semaphore, #tpu.memory_space<semaphore_mem>>) src(%dma_wait3A_81 : memref<128xi32, #tpu.memory_space<hbm>>) dst(%arg9 : memref<128xi32, #tpu.memory_space<vmem>>)
        tpu.yield
      }) : () -> ()
      "tpu.region"() ({
        %run_scoped3A = tpu.sem_alloc : memref<!tpu.dma_semaphore, #tpu.memory_space<semaphore_mem>>
        %dma_start3A_70 = arith.constant 0 : i32
        %dma_start3A_71 = tpu.memref_slice %arg4[%add3A_64, %dma_start3A_70] : memref<2500x128xi32, #tpu.memory_space<hbm>> -> memref<1x128xi32, #tpu.memory_space<hbm>>
        %dma_start3A_72 = tpu.memref_squeeze %dma_start3A_71 : memref<1x128xi32, #tpu.memory_space<hbm>> -> memref<128xi32, #tpu.memory_space<hbm>>
        %dma_start3A_73 = arith.constant 0 : i32
        %dma_start3A_74 = tpu.memref_slice %arg4[%add3A_64, %dma_start3A_73] : memref<2500x128xi32, #tpu.memory_space<hbm>> -> memref<1x128xi32, #tpu.memory_space<hbm>>
        %dma_start3A_75 = tpu.memref_squeeze %dma_start3A_74 : memref<1x128xi32, #tpu.memory_space<hbm>> -> memref<128xi32, #tpu.memory_space<hbm>>
        tpu.enqueue_dma source(%dma_start3A_75 : memref<128xi32, #tpu.memory_space<hbm>>) target(%arg10 : memref<128xi32, #tpu.memory_space<vmem>>) target_semaphore(%run_scoped3A : memref<!tpu.dma_semaphore, #tpu.memory_space<semaphore_mem>>)
        %dma_wait3A_76 = arith.constant 0 : i32
        %dma_wait3A_77 = tpu.memref_slice %arg4[%add3A_64, %dma_wait3A_76] : memref<2500x128xi32, #tpu.memory_space<hbm>> -> memref<1x128xi32, #tpu.memory_space<hbm>>
        %dma_wait3A_78 = tpu.memref_squeeze %dma_wait3A_77 : memref<1x128xi32, #tpu.memory_space<hbm>> -> memref<128xi32, #tpu.memory_space<hbm>>
        %dma_wait3A_79 = arith.constant 0 : i32
        %dma_wait3A_80 = tpu.memref_slice %arg4[%add3A_64, %dma_wait3A_79] : memref<2500x128xi32, #tpu.memory_space<hbm>> -> memref<1x128xi32, #tpu.memory_space<hbm>>
        %dma_wait3A_81 = tpu.memref_squeeze %dma_wait3A_80 : memref<1x128xi32, #tpu.memory_space<hbm>> -> memref<128xi32, #tpu.memory_space<hbm>>
        tpu.wait_dma2 semaphore(%run_scoped3A : memref<!tpu.dma_semaphore, #tpu.memory_space<semaphore_mem>>) src(%dma_wait3A_81 : memref<128xi32, #tpu.memory_space<hbm>>) dst(%arg10 : memref<128xi32, #tpu.memory_space<vmem>>)
        tpu.yield
      }) : () -> ()
      %dma_start3A_65 = arith.constant 0 : i32
      %dma_start3A_66 = arith.constant 0 : i32
      %dma_start3A_67 = tpu.memref_slice %arg2[%dma_start3A_65, %dma_start3A_66] : memref<10000x16xf32, #tpu.memory_space<hbm>> -> memref<10000x16xf32, #tpu.memory_space<hbm>>
      tpu.enqueue_indirect_dma source(%dma_start3A_67 : memref<10000x16xf32, #tpu.memory_space<hbm>>) target(%arg11 : memref<128x16xf32, #tpu.memory_space<vmem>>) offsets(%arg9 : memref<128xi32, #tpu.memory_space<vmem>>) semaphore(%arg30 : memref<!tpu.dma_semaphore, #tpu.memory_space<semaphore_mem>>)
      %dma_wait3A = arith.constant 0 : i32
      %dma_wait3A_68 = arith.constant 0 : i32
      %dma_wait3A_69 = tpu.memref_slice %arg2[%dma_wait3A, %dma_wait3A_68] : memref<10000x16xf32, #tpu.memory_space<hbm>> -> memref<10000x16xf32, #tpu.memory_space<hbm>>
      tpu.wait_indirect_dma semaphore(%arg30 : memref<!tpu.dma_semaphore, #tpu.memory_space<semaphore_mem>>) src(%dma_wait3A_69 : memref<10000x16xf32, #tpu.memory_space<hbm>>) dst(%arg11 : memref<128x16xf32, #tpu.memory_space<vmem>>)
      "tpu.region"() ({
        %run_scoped3A = tpu.sem_alloc : memref<!tpu.dma_semaphore, #tpu.memory_space<semaphore_mem>>
        %dma_start3A_70 = arith.constant 0 : i32
        %dma_start3A_71 = arith.constant 0 : i32
        %dma_start3A_72 = tpu.memref_slice %arg17[%dma_start3A_70, %dma_start3A_71] : memref<10000x16xf32, #tpu.memory_space<vmem_shared>> -> memref<10000x16xf32, #tpu.memory_space<vmem_shared>>
        tpu.enqueue_indirect_dma source(%arg11 : memref<128x16xf32, #tpu.memory_space<vmem>>) target(%dma_start3A_72 : memref<10000x16xf32, #tpu.memory_space<vmem_shared>>) offsets(%arg10 : memref<128xi32, #tpu.memory_space<vmem>>) semaphore(%run_scoped3A : memref<!tpu.dma_semaphore, #tpu.memory_space<semaphore_mem>>) {add = true}
        %dma_wait3A_73 = arith.constant 0 : i32
        %dma_wait3A_74 = arith.constant 0 : i32
        %dma_wait3A_75 = tpu.memref_slice %arg17[%dma_wait3A_73, %dma_wait3A_74] : memref<10000x16xf32, #tpu.memory_space<vmem_shared>> -> memref<10000x16xf32, #tpu.memory_space<vmem_shared>>
        tpu.wait_indirect_dma semaphore(%run_scoped3A : memref<!tpu.dma_semaphore, #tpu.memory_space<semaphore_mem>>) src(%arg11 : memref<128x16xf32, #tpu.memory_space<vmem>>) dst(%dma_wait3A_75 : memref<10000x16xf32, #tpu.memory_space<vmem_shared>>)
        tpu.yield
      }) : () -> ()
    } else {
    }
    %barrier3A_57 = arith.constant 0 : index
    tpu.barrier barrier_id(%barrier3A_57)
    "tpu.region"() ({
      %run_scoped3A = tpu.sem_alloc : memref<!tpu.dma_semaphore, #tpu.memory_space<semaphore_mem>>
      %dma_start3A_63 = arith.constant 0 : i32
      %dma_start3A_64 = tpu.memref_slice %arg6[%arg0, %multiple_of3A, %dma_start3A_63] : memref<2x10000x16xf32, #tpu.memory_space<hbm>> -> memref<1x624x16xf32, #tpu.memory_space<hbm>>
      %dma_start3A_65 = tpu.memref_squeeze %dma_start3A_64 : memref<1x624x16xf32, #tpu.memory_space<hbm>> -> memref<624x16xf32, #tpu.memory_space<hbm>>
      %dma_start3A_66 = arith.constant 0 : i32
      %dma_start3A_67 = tpu.memref_slice %arg17[%multiple_of3A, %dma_start3A_66] : memref<10000x16xf32, #tpu.memory_space<vmem_shared>> -> memref<624x16xf32, #tpu.memory_space<vmem_shared>>
      tpu.enqueue_dma source(%dma_start3A_67 : memref<624x16xf32, #tpu.memory_space<vmem_shared>>) target(%dma_start3A_65 : memref<624x16xf32, #tpu.memory_space<hbm>>) target_semaphore(%run_scoped3A : memref<!tpu.dma_semaphore, #tpu.memory_space<semaphore_mem>>)
      %dma_wait3A = arith.constant 0 : i32
      %dma_wait3A_68 = tpu.memref_slice %arg6[%arg0, %multiple_of3A, %dma_wait3A] : memref<2x10000x16xf32, #tpu.memory_space<hbm>> -> memref<1x624x16xf32, #tpu.memory_space<hbm>>
      %dma_wait3A_69 = tpu.memref_squeeze %dma_wait3A_68 : memref<1x624x16xf32, #tpu.memory_space<hbm>> -> memref<624x16xf32, #tpu.memory_space<hbm>>
      %dma_wait3A_70 = arith.constant 0 : i32
      %dma_wait3A_71 = tpu.memref_slice %arg17[%multiple_of3A, %dma_wait3A_70] : memref<10000x16xf32, #tpu.memory_space<vmem_shared>> -> memref<624x16xf32, #tpu.memory_space<vmem_shared>>
      tpu.wait_dma2 semaphore(%run_scoped3A : memref<!tpu.dma_semaphore, #tpu.memory_space<semaphore_mem>>) src(%dma_wait3A_71 : memref<624x16xf32, #tpu.memory_space<vmem_shared>>) dst(%dma_wait3A_69 : memref<624x16xf32, #tpu.memory_space<hbm>>)
      tpu.yield
    }) : () -> ()
    %eq3A_58 = arith.constant 15 : i32
    %eq3A_59 = arith.cmpi eq, %arg1, %eq3A_58 : i32
    %convert_element_type3A_60 = arith.extui %eq3A_59 : i1 to i32
    %cond3A_61 = arith.constant 0 : i32
    %cond3A_62 = arith.cmpi ne, %convert_element_type3A_60, %cond3A_61 : i32
    scf.if %cond3A_62 {
      "tpu.region"() ({
        %run_scoped3A = tpu.sem_alloc : memref<!tpu.dma_semaphore, #tpu.memory_space<semaphore_mem>>
        %dma_start3A_63 = arith.constant 9984 : i32
        %dma_start3A_64 = arith.constant 0 : i32
        %dma_start3A_65 = tpu.memref_slice %arg6[%arg0, %dma_start3A_63, %dma_start3A_64] : memref<2x10000x16xf32, #tpu.memory_space<hbm>> -> memref<1x16x16xf32, #tpu.memory_space<hbm>>
        %dma_start3A_66 = tpu.memref_squeeze %dma_start3A_65 : memref<1x16x16xf32, #tpu.memory_space<hbm>> -> memref<16x16xf32, #tpu.memory_space<hbm>>
        %dma_start3A_67 = arith.constant 9984 : i32
        %dma_start3A_68 = arith.constant 0 : i32
        %dma_start3A_69 = tpu.memref_slice %arg17[%dma_start3A_67, %dma_start3A_68] : memref<10000x16xf32, #tpu.memory_space<vmem_shared>> -> memref<16x16xf32, #tpu.memory_space<vmem_shared>>
        tpu.enqueue_dma source(%dma_start3A_69 : memref<16x16xf32, #tpu.memory_space<vmem_shared>>) target(%dma_start3A_66 : memref<16x16xf32, #tpu.memory_space<hbm>>) target_semaphore(%run_scoped3A : memref<!tpu.dma_semaphore, #tpu.memory_space<semaphore_mem>>)
        %dma_wait3A = arith.constant 9984 : i32
        %dma_wait3A_70 = arith.constant 0 : i32
        %dma_wait3A_71 = tpu.memref_slice %arg6[%arg0, %dma_wait3A, %dma_wait3A_70] : memref<2x10000x16xf32, #tpu.memory_space<hbm>> -> memref<1x16x16xf32, #tpu.memory_space<hbm>>
        %dma_wait3A_72 = tpu.memref_squeeze %dma_wait3A_71 : memref<1x16x16xf32, #tpu.memory_space<hbm>> -> memref<16x16xf32, #tpu.memory_space<hbm>>
        %dma_wait3A_73 = arith.constant 9984 : i32
        %dma_wait3A_74 = arith.constant 0 : i32
        %dma_wait3A_75 = tpu.memref_slice %arg17[%dma_wait3A_73, %dma_wait3A_74] : memref<10000x16xf32, #tpu.memory_space<vmem_shared>> -> memref<16x16xf32, #tpu.memory_space<vmem_shared>>
        tpu.wait_dma2 semaphore(%run_scoped3A : memref<!tpu.dma_semaphore, #tpu.memory_space<semaphore_mem>>) src(%dma_wait3A_75 : memref<16x16xf32, #tpu.memory_space<vmem_shared>>) dst(%dma_wait3A_72 : memref<16x16xf32, #tpu.memory_space<hbm>>)
        tpu.yield
      }) : () -> ()
    } else {
    }
    return
  }
}

module attributes {stable_mosaic.version = 14 : i64} {
  func.func @_tc1_body(%arg0: i32, %arg1: memref<1000x128xf32, #tpu.memory_space<vmem>>, %arg2: memref<128x128xf32, #tpu.memory_space<vmem>>, %arg3: memref<128x128xf32, #tpu.memory_space<vmem>>, %arg4: memref<1x128xf32, #tpu.memory_space<vmem>>, %arg5: memref<1000x128xf32, #tpu.memory_space<vmem>>, %arg6: memref<1000x128xf32, #tpu.memory_space<vmem>>) attributes {dimension_semantics = [#tpu.dimension_semantics<arbitrary>], iteration_bounds = array<i64: 10>, scalar_prefetch = 0 : i64, scratch_operands = 0 : i64, tpu.core_type = #tpu.core_type<tc>, window_params = [{transform_indices = @transform_0, window_bounds = array<i64: 1000, 128>}, {pipeline_mode = #tpu.pipeline_mode<synchronous>, transform_indices = @transform_1, window_bounds = array<i64: 128, 128>}, {pipeline_mode = #tpu.pipeline_mode<synchronous>, transform_indices = @transform_2, window_bounds = array<i64: 128, 128>}, {pipeline_mode = #tpu.pipeline_mode<synchronous>, transform_indices = @transform_3, window_bounds = array<i64: 1, 128>}, {transform_indices = @transform_4, window_bounds = array<i64: 1000, 128>}, {transform_indices = @transform_5, window_bounds = array<i64: 1000, 128>}]} {
    %get3A = arith.constant 0 : index
    %get3A_0 = arith.constant 0 : index
    %get3A_1 = vector.load %arg1[%get3A, %get3A_0] : memref<1000x128xf32, #tpu.memory_space<vmem>>, vector<1000x128xf32>
    %get3A_2 = arith.constant 0 : index
    %get3A_3 = arith.constant 0 : index
    %get3A_4 = vector.load %arg2[%get3A_2, %get3A_3] : memref<128x128xf32, #tpu.memory_space<vmem>>, vector<128x128xf32>
    %dot_general3A = arith.constant dense<0.000000e+00> : vector<1000x128xf32>
    %dot_general3A_5 = tpu.matmul %get3A_1, %get3A_4, %dot_general3A {dimension_numbers = #tpu.dot_dimension_numbers<[1], [0], [0], [1], [0, 0, 1, 1], [], []>, transpose_lhs_hint = false} : vector<1000x128xf32>, vector<128x128xf32>, vector<1000x128xf32> -> vector<1000x128xf32>
    %swap3A = arith.constant 0 : index
    %swap3A_6 = arith.constant 0 : index
    %swap3A_7 = vector.load %arg5[%swap3A, %swap3A_6] : memref<1000x128xf32, #tpu.memory_space<vmem>>, vector<1000x128xf32>
    tpu.vector_store %arg5[%swap3A, %swap3A_6], %dot_general3A_5 {strides = array<i32>} : memref<1000x128xf32, #tpu.memory_space<vmem>>, vector<1000x128xf32>,
    %get3A_8 = arith.constant 0 : index
    %get3A_9 = arith.constant 0 : index
    %get3A_10 = vector.load %arg3[%get3A_8, %get3A_9] : memref<128x128xf32, #tpu.memory_space<vmem>>, vector<128x128xf32>
    %dot_general3A_11 = arith.constant dense<0.000000e+00> : vector<1000x128xf32>
    %dot_general3A_12 = tpu.matmul %get3A_1, %get3A_10, %dot_general3A_11 {dimension_numbers = #tpu.dot_dimension_numbers<[1], [0], [0], [1], [0, 0, 1, 1], [], []>, transpose_lhs_hint = false} : vector<1000x128xf32>, vector<128x128xf32>, vector<1000x128xf32> -> vector<1000x128xf32>
    %get3A_13 = arith.constant 0 : index
    %get3A_14 = arith.constant 0 : index
    %get3A_15 = vector.load %arg4[%get3A_13, %get3A_14] : memref<1x128xf32, #tpu.memory_space<vmem>>, vector<1x128xf32>
    %add3A = vector.broadcast %get3A_15 : vector<1x128xf32> to vector<1000x128xf32>
    %add3A_16 = arith.addf %dot_general3A_12, %add3A : vector<1000x128xf32>
    %swap3A_17 = arith.constant 0 : index
    %swap3A_18 = arith.constant 0 : index
    %swap3A_19 = vector.load %arg6[%swap3A_17, %swap3A_18] : memref<1000x128xf32, #tpu.memory_space<vmem>>, vector<1000x128xf32>
    tpu.vector_store %arg6[%swap3A_17, %swap3A_18], %add3A_16 {strides = array<i32>} : memref<1000x128xf32, #tpu.memory_space<vmem>>, vector<1000x128xf32>,
    return
  }
  func.func @transform_0(%arg0: i32) -> (i32, i32) {
    %c0_i32 = arith.constant 0 : i32
    %c0_i32_0 = arith.constant 0 : i32
    return %arg0, %c0_i32 : i32, i32
  }
  func.func @transform_1(%arg0: i32) -> (i32, i32) {
    %c0_i32 = arith.constant 0 : i32
    %c0_i32_0 = arith.constant 0 : i32
    %c0_i32_1 = arith.constant 0 : i32
    return %c0_i32, %c0_i32_0 : i32, i32
  }
  func.func @transform_2(%arg0: i32) -> (i32, i32) {
    %c0_i32 = arith.constant 0 : i32
    %c0_i32_0 = arith.constant 0 : i32
    %c0_i32_1 = arith.constant 0 : i32
    return %c0_i32, %c0_i32_0 : i32, i32
  }
  func.func @transform_3(%arg0: i32) -> (i32, i32) {
    %c0_i32 = arith.constant 0 : i32
    %c0_i32_0 = arith.constant 0 : i32
    %c0_i32_1 = arith.constant 0 : i32
    return %c0_i32, %c0_i32_0 : i32, i32
  }
  func.func @transform_4(%arg0: i32) -> (i32, i32) {
    %c0_i32 = arith.constant 0 : i32
    %c0_i32_0 = arith.constant 0 : i32
    return %arg0, %c0_i32 : i32, i32
  }
  func.func @transform_5(%arg0: i32) -> (i32, i32) {
    %c0_i32 = arith.constant 0 : i32
    %c0_i32_0 = arith.constant 0 : i32
    return %arg0, %c0_i32 : i32, i32
  }
}

module attributes {stable_mosaic.version = 14 : i64} {
  func.func @_tc2_body(%arg0: i32, %arg1: memref<1000x128xf32, #tpu.memory_space<vmem>>, %arg2: memref<1000x128xf32, #tpu.memory_space<vmem>>, %arg3: memref<1000x128xf32, #tpu.memory_space<vmem>>, %arg4: memref<1000x16xf32, #tpu.memory_space<vmem>>, %arg5: memref<1000x16xf32, #tpu.memory_space<vmem>>, %arg6: memref<128x2xf32, #tpu.memory_space<vmem>>, %arg7: memref<1x2xf32, #tpu.memory_space<vmem>>, %arg8: memref<1000x16xf32, #tpu.memory_space<vmem>>) attributes {dimension_semantics = [#tpu.dimension_semantics<arbitrary>], iteration_bounds = array<i64: 10>, scalar_prefetch = 0 : i64, scratch_operands = 0 : i64, tpu.core_type = #tpu.core_type<tc>, window_params = [{transform_indices = @transform_0, window_bounds = array<i64: 1000, 128>}, {transform_indices = @transform_1, window_bounds = array<i64: 1000, 128>}, {transform_indices = @transform_2, window_bounds = array<i64: 1000, 128>}, {transform_indices = @transform_3, window_bounds = array<i64: 1000, 16>}, {transform_indices = @transform_4, window_bounds = array<i64: 1000, 16>}, {pipeline_mode = #tpu.pipeline_mode<synchronous>, transform_indices = @transform_5, window_bounds = array<i64: 128, 2>}, {pipeline_mode = #tpu.pipeline_mode<synchronous>, transform_indices = @transform_6, window_bounds = array<i64: 1, 2>}, {transform_indices = @transform_7, window_bounds = array<i64: 1000, 16>}]} {
    %get3A = arith.constant 0 : index
    %get3A_0 = arith.constant 0 : index
    %get3A_1 = vector.load %arg2[%get3A, %get3A_0] : memref<1000x128xf32, #tpu.memory_space<vmem>>, vector<1000x128xf32>
    %get3A_2 = arith.constant 0 : index
    %get3A_3 = arith.constant 0 : index
    %get3A_4 = vector.load %arg3[%get3A_2, %get3A_3] : memref<1000x128xf32, #tpu.memory_space<vmem>>, vector<1000x128xf32>
    %add3A = arith.addf %get3A_1, %get3A_4 : vector<1000x128xf32>
    %get3A_5 = arith.constant 0 : index
    %get3A_6 = arith.constant 0 : index
    %get3A_7 = vector.load %arg4[%get3A_5, %get3A_6] : memref<1000x16xf32, #tpu.memory_space<vmem>>, vector<1000x1xf32>
    %get3A_8 = arith.constant 0 : index
    %get3A_9 = arith.constant 0 : index
    %get3A_10 = vector.load %arg5[%get3A_8, %get3A_9] : memref<1000x16xf32, #tpu.memory_space<vmem>>, vector<1000x1xf32>
    %add3A_11 = arith.addf %get3A_7, %get3A_10 : vector<1000x1xf32>
    %max3A = arith.constant 1.000000e+00 : f32
    %max3A_12 = vector.broadcast %max3A : f32 to vector<1000x1xf32>
    %max3A_13 = arith.maximumf %add3A_11, %max3A_12 : vector<1000x1xf32>
    %get3A_14 = arith.constant 0 : index
    %get3A_15 = arith.constant 0 : index
    %get3A_16 = vector.load %arg1[%get3A_14, %get3A_15] : memref<1000x128xf32, #tpu.memory_space<vmem>>, vector<1000x128xf32>
    %div3A = vector.broadcast %max3A_13 : vector<1000x1xf32> to vector<1000x128xf32>
    %div3A_17 = arith.divf %add3A, %div3A : vector<1000x128xf32>
    %add3A_18 = arith.addf %get3A_16, %div3A_17 : vector<1000x128xf32>
    %max3A_19 = arith.constant 0.000000e+00 : f32
    %max3A_20 = vector.broadcast %max3A_19 : f32 to vector<1000x128xf32>
    %max3A_21 = arith.maximumf %add3A_18, %max3A_20 : vector<1000x128xf32>
    %get3A_22 = arith.constant 0 : index
    %get3A_23 = arith.constant 0 : index
    %get3A_24 = vector.load %arg6[%get3A_22, %get3A_23] : memref<128x2xf32, #tpu.memory_space<vmem>>, vector<128x2xf32>
    %dot_general3A = arith.constant dense<0.000000e+00> : vector<1000x2xf32>
    %dot_general3A_25 = tpu.matmul %max3A_21, %get3A_24, %dot_general3A {dimension_numbers = #tpu.dot_dimension_numbers<[1], [0], [0], [1], [0, 0, 1, 1], [], []>, transpose_lhs_hint = false} : vector<1000x128xf32>, vector<128x2xf32>, vector<1000x2xf32> -> vector<1000x2xf32>
    %get3A_26 = arith.constant 0 : index
    %get3A_27 = arith.constant 0 : index
    %get3A_28 = vector.load %arg7[%get3A_26, %get3A_27] : memref<1x2xf32, #tpu.memory_space<vmem>>, vector<1x2xf32>
    %add3A_29 = vector.broadcast %get3A_28 : vector<1x2xf32> to vector<1000x2xf32>
    %add3A_30 = arith.addf %dot_general3A_25, %add3A_29 : vector<1000x2xf32>
    %iota3A = tpu.iota {dimensions = array<i32: 1>} : vector<1000x16xi32>
    %slice3A = vector.extract_strided_slice %add3A_30 {offsets = [0, 0], sizes = [1000, 1], strides = [1, 1]} : vector<1000x2xf32> to vector<1000x1xf32>
    %slice3A_31 = vector.extract_strided_slice %add3A_30 {offsets = [0, 1], sizes = [1000, 1], strides = [1, 1]} : vector<1000x2xf32> to vector<1000x1xf32>
    %eq3A = arith.constant 0 : i32
    %eq3A_32 = vector.broadcast %eq3A : i32 to vector<1000x16xi32>
    %eq3A_33 = arith.cmpi eq, %iota3A, %eq3A_32 : vector<1000x16xi32>
    %eq3A_34 = arith.constant 1 : i32
    %eq3A_35 = vector.broadcast %eq3A_34 : i32 to vector<1000x16xi32>
    %eq3A_36 = arith.cmpi eq, %iota3A, %eq3A_35 : vector<1000x16xi32>
    %eq3A_37 = arith.constant 2 : i32
    %eq3A_38 = vector.broadcast %eq3A_37 : i32 to vector<1000x16xi32>
    %eq3A_39 = arith.cmpi eq, %iota3A, %eq3A_38 : vector<1000x16xi32>
    %jit3A = arith.constant 0.000000e+00 : f32
    %broadcast_in_dim3A = vector.shape_cast %max3A_13 : vector<1000x1xf32> to vector<1000x1xf32>
    %broadcast_in_dim3A_40 = vector.broadcast %broadcast_in_dim3A : vector<1000x1xf32> to vector<1000x16xf32>
    %broadcast_in_dim3A_41 = vector.broadcast %jit3A : f32 to vector<1000x16xf32>
    %select_n3A = arith.select %eq3A_39, %broadcast_in_dim3A_40, %broadcast_in_dim3A_41 : vector<1000x16xi1>, vector<1000x16xf32>
    %broadcast_in_dim3A_42 = vector.shape_cast %slice3A_31 : vector<1000x1xf32> to vector<1000x1xf32>
    %broadcast_in_dim3A_43 = vector.broadcast %broadcast_in_dim3A_42 : vector<1000x1xf32> to vector<1000x16xf32>
    %select_n3A_44 = arith.select %eq3A_36, %broadcast_in_dim3A_43, %select_n3A : vector<1000x16xi1>, vector<1000x16xf32>
    %broadcast_in_dim3A_45 = vector.shape_cast %slice3A : vector<1000x1xf32> to vector<1000x1xf32>
    %broadcast_in_dim3A_46 = vector.broadcast %broadcast_in_dim3A_45 : vector<1000x1xf32> to vector<1000x16xf32>
    %select_n3A_47 = arith.select %eq3A_33, %broadcast_in_dim3A_46, %select_n3A_44 : vector<1000x16xi1>, vector<1000x16xf32>
    %swap3A = arith.constant 0 : index
    %swap3A_48 = arith.constant 0 : index
    %swap3A_49 = vector.load %arg8[%swap3A, %swap3A_48] : memref<1000x16xf32, #tpu.memory_space<vmem>>, vector<1000x16xf32>
    tpu.vector_store %arg8[%swap3A, %swap3A_48], %select_n3A_47 {strides = array<i32>} : memref<1000x16xf32, #tpu.memory_space<vmem>>, vector<1000x16xf32>,
    return
  }
  func.func @transform_0(%arg0: i32) -> (i32, i32) {
    %c0_i32 = arith.constant 0 : i32
    %c0_i32_0 = arith.constant 0 : i32
    return %arg0, %c0_i32 : i32, i32
  }
  func.func @transform_1(%arg0: i32) -> (i32, i32) {
    %c0_i32 = arith.constant 0 : i32
    %c0_i32_0 = arith.constant 0 : i32
    return %arg0, %c0_i32 : i32, i32
  }
  func.func @transform_2(%arg0: i32) -> (i32, i32) {
    %c0_i32 = arith.constant 0 : i32
    %c0_i32_0 = arith.constant 0 : i32
    return %arg0, %c0_i32 : i32, i32
  }
  func.func @transform_3(%arg0: i32) -> (i32, i32) {
    %c0_i32 = arith.constant 0 : i32
    %c0_i32_0 = arith.constant 0 : i32
    return %arg0, %c0_i32 : i32, i32
  }
  func.func @transform_4(%arg0: i32) -> (i32, i32) {
    %c0_i32 = arith.constant 0 : i32
    %c0_i32_0 = arith.constant 0 : i32
    return %arg0, %c0_i32 : i32, i32
  }
  func.func @transform_5(%arg0: i32) -> (i32, i32) {
    %c0_i32 = arith.constant 0 : i32
    %c0_i32_0 = arith.constant 0 : i32
    %c0_i32_1 = arith.constant 0 : i32
    return %c0_i32, %c0_i32_0 : i32, i32
  }
  func.func @transform_6(%arg0: i32) -> (i32, i32) {
    %c0_i32 = arith.constant 0 : i32
    %c0_i32_0 = arith.constant 0 : i32
    %c0_i32_1 = arith.constant 0 : i32
    return %c0_i32, %c0_i32_0 : i32, i32
  }
  func.func @transform_7(%arg0: i32) -> (i32, i32) {
    %c0_i32 = arith.constant 0 : i32
    %c0_i32_0 = arith.constant 0 : i32
    return %arg0, %c0_i32 : i32, i32
  }
}

module attributes {stable_mosaic.version = 14 : i64} {
  func.func @_tc3_body(%arg0: i32, %arg1: memref<1000x16xf32, #tpu.memory_space<vmem>>, %arg2: memref<1000x16xf32, #tpu.memory_space<vmem>>, %arg3: memref<1000x16xf32, #tpu.memory_space<vmem>>, %arg4: memref<1000x1xf32, #tpu.memory_space<vmem>>) attributes {dimension_semantics = [#tpu.dimension_semantics<arbitrary>], iteration_bounds = array<i64: 10>, scalar_prefetch = 0 : i64, scratch_operands = 0 : i64, tpu.core_type = #tpu.core_type<tc>, window_params = [{transform_indices = @transform_0, window_bounds = array<i64: 1000, 16>}, {transform_indices = @transform_1, window_bounds = array<i64: 1000, 16>}, {transform_indices = @transform_2, window_bounds = array<i64: 1000, 16>}, {transform_indices = @transform_3, window_bounds = array<i64: 1000, 1>}]} {
    %get3A = arith.constant 0 : index
    %get3A_0 = arith.constant 0 : index
    %get3A_1 = vector.load %arg2[%get3A, %get3A_0] : memref<1000x16xf32, #tpu.memory_space<vmem>>, vector<1000x1xf32>
    %get3A_2 = arith.constant 0 : index
    %get3A_3 = arith.constant 0 : index
    %get3A_4 = vector.load %arg3[%get3A_2, %get3A_3] : memref<1000x16xf32, #tpu.memory_space<vmem>>, vector<1000x1xf32>
    %add3A = arith.addf %get3A_1, %get3A_4 : vector<1000x1xf32>
    %get3A_5 = arith.constant 0 : index
    %get3A_6 = arith.constant 1 : index
    %get3A_7 = vector.load %arg1[%get3A_5, %get3A_6] : memref<1000x16xf32, #tpu.memory_space<vmem>>, vector<1000x1xf32>
    %get3A_8 = arith.constant 0 : index
    %get3A_9 = arith.constant 2 : index
    %get3A_10 = vector.load %arg1[%get3A_8, %get3A_9] : memref<1000x16xf32, #tpu.memory_space<vmem>>, vector<1000x1xf32>
    %div3A = arith.divf %add3A, %get3A_10 : vector<1000x1xf32>
    %add3A_11 = arith.addf %get3A_7, %div3A : vector<1000x1xf32>
    %logistic3A = arith.negf %add3A_11 : vector<1000x1xf32>
    %logistic3A_12 = math.exp %logistic3A : vector<1000x1xf32>
    %logistic3A_13 = arith.constant 1.000000e+00 : f32
    %logistic3A_14 = vector.broadcast %logistic3A_13 : f32 to vector<1000x1xf32>
    %logistic3A_15 = arith.addf %logistic3A_14, %logistic3A_12 : vector<1000x1xf32>
    %logistic3A_16 = arith.divf %logistic3A_14, %logistic3A_15 : vector<1000x1xf32>
    %swap3A = arith.constant 0 : index
    %swap3A_17 = arith.constant 0 : index
    %swap3A_18 = vector.load %arg4[%swap3A, %swap3A_17] : memref<1000x1xf32, #tpu.memory_space<vmem>>, vector<1000x1xf32>
    tpu.vector_store %arg4[%swap3A, %swap3A_17], %logistic3A_16 {strides = array<i32>} : memref<1000x1xf32, #tpu.memory_space<vmem>>, vector<1000x1xf32>,
    return
  }
  func.func @transform_0(%arg0: i32) -> (i32, i32) {
    %c0_i32 = arith.constant 0 : i32
    %c0_i32_0 = arith.constant 0 : i32
    return %arg0, %c0_i32 : i32, i32
  }
  func.func @transform_1(%arg0: i32) -> (i32, i32) {
    %c0_i32 = arith.constant 0 : i32
    %c0_i32_0 = arith.constant 0 : i32
    return %arg0, %c0_i32 : i32, i32
  }
  func.func @transform_2(%arg0: i32) -> (i32, i32) {
    %c0_i32 = arith.constant 0 : i32
    %c0_i32_0 = arith.constant 0 : i32
    return %arg0, %c0_i32 : i32, i32
  }
  func.func @transform_3(%arg0: i32) -> (i32, i32) {
    %c0_i32 = arith.constant 0 : i32
    %c0_i32_0 = arith.constant 0 : i32
    return %arg0, %c0_i32 : i32, i32
  }
}

</mosaic_0001>

<sc_bundles>
// kernel: kernel.10.cloned.1.call-start
scs
__scs_entry_jumppad:
0x0: {  	(pc) =	sbr.rel $0x88, $3  }
0x1: {  	(tag) =	ssettag $0x0;
	lr =	simm.s32 $0x1  }
0x2: {  	[smem:$0x3F99] =	sst lr;
	_ =	strace $0xD0000000  }
0x3: {  	_ = 	snop  }
0x4: {  	_ = 	snop  }
0x5: {  	_ = 	snop  }
0x6: {  	_ = 	snop  }
0x7: {  	_ = 	snop  }
__scs_overlays_trampoline_lowered:
0x8: {  	[smem:$0x3FA8] =	sst s0  }
0x9: {  	[smem:$0x3FA9] =	sst s1  }
0xa: {  	[smem:$0x3FAA] =	sst s2  }
0xb: {  	[smem:$0x3FAB] =	sst s3  }
0xc: {  	[smem:$0x3FAC] =	sst s4  }
0xd: {  	[smem:$0x3FAD] =	sst s5  }
0xe: {  	[smem:$0x3FAE] =	sst s6  }
0xf: {  	[smem:$0x3FAF] =	sst s7  }
0x10: {  	[smem:$0x3FB0] =	sst s8  }
0x11: {  	[smem:$0x3FB1] =	sst s9;
	s0 =	simm.s32 @!p0 $0x0  }
0x12: {  	s1 =	sld [smem:$0x3F97];
	s0 =	simm.s32 @p0 $0x1  }
0x13: {  	[smem:$0x3FB2] =	sst s0;
	s0 =	simm.s32 @!p1 $0x0  }
0x14: {  	s2 =	sld [smem:$0x3F96];
	s0 =	simm.s32 @p1 $0x1  }
0x15: {  	[smem:$0x3FB3] =	sst s0;
	s0 =	simm.s32 @!p2 $0x0  }
0x16: {  	s3 =	sld [smem:$0x3FDB];
	s0 =	simm.s32 @p2 $0x1  }
0x17: {  	s4 =	simm.s32 $0x1BF5;
	[smem:$0x3FB5] =	sst s0  }
0x18: {  	s0 =	sld [smem:$0x3F98];
	_ =	swait.ge [sflag:s4], $0x0  }
0x19: {  	s7 =	sld [smem:$0x3F99]  }
0x1a: {  	s8 =	sadd.s32 $0xFFFFE003, lr  }
0x1b: {  	s9 =	sadd.s32 $0xFFFFFEF7, lr;
	s5 =	simm.s32 $0xFFFFFFFF;
	p2 =	slt.u32 s8, $0xFFFFF086  }
0x1c: {  	p1 =	slt.u32 s9, $0xF7A;
	s5 =	simm.s32 @!p2 $0x0  }
0x1d: {  	s5 =	simm.s32 @p1 $0x1;
	p0 =	seq.s32 s7, s2  }
0x1e: {  	s7 =	smul.u32 @!p0 $0xF7A, s2;
	p2 =	seq.s32 @!p0 s5, $0x0  }
0x1f: {  	s9 =	smul.u32 $0xF7A, s1;
	s8 =	simm.s32 @!p0 $0x1BF5;
	p2 =	por !p2, p0  }
0x20: {  	[sflag:s8] =	ssyncset.s32 @!p0 $0xFFFFF086;
	s6 =	sadd.s32 @!p0 s3, s7;
	s7 =	simm.s32 @!p0 $0x108  }
0x21: {  	s3 =	sadd.s32 s3, s9;
	s6 =	sadd.s32 @!p0 $0x88, s6;
	s7 =	simm.s32 @p2 $0x1082  }
0x22: {  	[simem:s7], [sflag:s8] =	dma.local @!p0 [hbm:s6], $0xF7A  }
0x23: {  	s9 =	sor.u32 $0xD0000000, s2;
	s6 =	simm.s32 $0x108;
	_ =	swait.ge @!p0 [sflag:s8], $0x0  }
0x24: {  	s3 =	sadd.s32 $0x88, s3;
	s6 =	simm.s32 @!p1 $0x1082;
	[sflag:s4] =	ssyncset.s32 $0xFFFFF086  }
0x25: {  	[simem:s6], [sflag:s4] =	dma.local [hbm:s3], $0xF7A  }
0x26: {  	[smem:$0x3F99] =	sst s1;
	(tag) =	ssettag s2;
	_ =	strace s9  }
0x27: {  	s1 =	sld [smem:$0x3FA9]  }
0x28: {  	s2 =	sld [smem:$0x3FAA]  }
0x29: {  	s4 =	sld [smem:$0x3FAC]  }
0x2a: {  	p0 =	seq.s32 s5, $0x0;
	s5 =	sld [smem:$0x3FAD]  }
0x2b: {  	s6 =	sld [smem:$0x3FAE]  }
0x2c: {  	s7 =	sld [smem:$0x3FAF]  }
0x2d: {  	s3 =	simm.s32 $0x108;
	s8 =	sld [smem:$0x3FB0]  }
0x2e: {  	s3 =	simm.s32 @!p0 $0x1082;
	s9 =	sld [smem:$0x3FB1]  }
0x2f: {  	lr =	sadd.s32 s0, s3;
	s0 =	sld [smem:$0x3FA8]  }
0x30: {  	s3 =	sld [smem:$0x3FAB]  }
0x31: {  	[smem:$0x3FB4] =	sst s10  }
0x32: {  	s10 =	sld [smem:$0x3FB2];
	_ =	sdelay $0x3  }
0x33: {  	p0 =	seq.s32 s10, $0x1;
	s10 =	sld [smem:$0x3FB4];
	_ =	sdelay $0x3  }
0x34: {  	[smem:$0x3FB4] =	sst s10  }
0x35: {  	s10 =	sld [smem:$0x3FB3];
	_ =	sdelay $0x3  }
0x36: {  	p1 =	seq.s32 s10, $0x1;
	s10 =	sld [smem:$0x3FB4];
	_ =	sdelay $0x3  }
0x37: {  	[smem:$0x3FB4] =	sst s10  }
0x38: {  	s10 =	sld [smem:$0x3FB5]  }
0x39: {  	_ = 	snop;
	(pc) =	sbr.ind lr, $3  }
0x3a: {  	_ = 	snop  }
0x3b: {  	_ = 	snop  }
0x3c: {  	p2 =	seq.s32 s10, $0x1;
	s10 =	sld [smem:$0x3FB4]  }
0x3d: {  	_ =	shalt  }
0x3e: {  	_ =	shalt  }
0x3f: {  	_ =	shalt  }
0x40: {  	_ =	shalt  }
0x41: {  	_ =	shalt  }
0x42: {  	_ =	shalt  }
0x43: {  	_ =	shalt  }
0x44: {  	_ =	shalt  }
0x45: {  	_ =	shalt  }
0x46: {  	_ =	shalt  }
0x47: {  	_ =	shalt  }
0x48: {  	_ =	shalt  }
0x49: {  	_ =	shalt  }
0x4a: {  	_ =	shalt  }
0x4b: {  	_ =	shalt  }
0x4c: {  	_ =	shalt  }
0x4d: {  	_ =	shalt  }
0x4e: {  	_ =	shalt  }
0x4f: {  	_ =	shalt  }
0x50: {  	_ =	shalt  }
0x51: {  	_ =	shalt  }
0x52: {  	_ =	shalt  }
0x53: {  	_ =	shalt  }
0x54: {  	_ =	shalt  }
0x55: {  	_ =	shalt  }
0x56: {  	_ =	shalt  }
0x57: {  	_ =	shalt  }
0x58: {  	_ =	shalt  }
0x59: {  	_ =	shalt  }
0x5a: {  	_ =	shalt  }
0x5b: {  	_ =	shalt  }
0x5c: {  	_ =	shalt  }
0x5d: {  	_ =	shalt  }
0x5e: {  	_ =	shalt  }
0x5f: {  	_ =	shalt  }
0x60: {  	_ =	shalt  }
0x61: {  	_ =	shalt  }
0x62: {  	_ =	shalt  }
0x63: {  	_ =	shalt  }
0x64: {  	_ =	shalt  }
0x65: {  	_ =	shalt  }
0x66: {  	_ =	shalt  }
0x67: {  	_ =	shalt  }
0x68: {  	_ =	shalt  }
0x69: {  	_ =	shalt  }
0x6a: {  	_ =	shalt  }
0x6b: {  	_ =	shalt  }
0x6c: {  	_ =	shalt  }
0x6d: {  	_ =	shalt  }
0x6e: {  	_ =	shalt  }
0x6f: {  	_ =	shalt  }
0x70: {  	_ =	shalt  }
0x71: {  	_ =	shalt  }
0x72: {  	_ =	shalt  }
0x73: {  	_ =	shalt  }
0x74: {  	_ =	shalt  }
0x75: {  	_ =	shalt  }
0x76: {  	_ =	shalt  }
0x77: {  	_ =	shalt  }
0x78: {  	_ =	shalt  }
0x79: {  	_ =	shalt  }
0x7a: {  	_ =	shalt  }
0x7b: {  	_ =	shalt  }
0x7c: {  	_ =	shalt  }
0x7d: {  	_ =	shalt  }
0x7e: {  	_ =	shalt  }
0x7f: {  	_ =	shalt  }
0x80: {  	_ =	shalt  }
0x81: {  	_ =	shalt  }
0x82: {  	_ =	shalt  }
0x83: {  	_ =	shalt  }
0x84: {  	_ =	shalt  }
0x85: {  	_ =	shalt  }
0x86: {  	_ =	shalt  }
0x87: {  	_ =	shalt  }
.Lfunc_end0:
.L_simem_size_0:
called_computation.1_lowered:
.L_overlay_start_0:
0x88: {  	s2 =	sld [smem:$0x3FD9]  }
0x89: {  	s3 =	sld [smem:$0x3FFE];
	_ =	sdelay $0x1  }
0x8a: {  	s1 =	srdreg.scid  }
0x8b: {  	s0 =	sand.u32 $0x1, s1  }
0x8c: {  	s16 =	sshll.u32 s0, $0xA;
	s2 =	sadd.s32 s3, s2  }
0x8d: {  	s2 =	sadd.s32 s2, s16  }
0x8e: {  	[smem:$0x3FC0] =	sst s2  }
0x8f: {  	_ = 	snop  }
0x90: {  	(tm) =	ssettm $0x1  }
0x91: {  	s17 =	sld [smem:$0x3FFB];
	_ =	sdelay $0x3  }
0x92: {  	_ =	strace s17  }
0x93: {  	s2 =	sld [smem:$0x3FFC];
	_ =	sdelay $0x3  }
0x94: {  	_ =	strace s2  }
0x95: {  	s2 =	sld [smem:$0x3FFD];
	_ =	sdelay $0x3  }
0x96: {  	_ =	strace s2  }
0x97: {  	_ =	strace $0x8FFFFFFF  }
0x98: {  	s18 =	sld [smem:$0x3FDB];
	_ =	sdelay $0x1  }
0x99: {  	s19 =	simm.s32 $_scs_section_size  }
0x9a: {  	s4 =	simm.s32 $_size__tile_overlayer_lowered;
	s5 =	simm.s32 $_tile_overlayer_lowered  }
0x9b: {  	s22 =	simm.s32 $0x1BFF;
	s21 =	sshll.u32 s5, $0x1;
	s2 =	sadd.s32 s19, s18  }
0x9c: {  	s6 =	simm.s32 $0x0;
	s20 =	sshll.u32 s4, $0x1;
	s4 =	sadd.s32 s21, s2  }
0x9d: {  	[timem:s6], [sflag:s22] =	dma.local [hbm:s4], s20  }
0x9e: {  	_ =	swait.ge [sflag:s22], s20  }
0x9f: {  	s3 =	ssub.s32 $0x0, s20;
	[sflag:s22] =	ssyncset.done $0x0  }
0xa0: {  	[sflag:s22] =	ssyncadd.s32 s3;
	_ =	sdelay $0x1  }
0xa1: {  	s23 =	simm.s32 $0x1B8B  }
0xa2: {  	_ =	swait.ge [sflag:s23], $0x1  }
0xa3: {  	[sflag:s23] =	ssyncset.done $0x0  }
0xa4: {  	s25 =	simm.s32 $0x1B8E;
	s24 =	sld [smem:$0x3FFE];
	[sflag:s23] =	ssyncadd.s32 $0xFFFFFFFF  }
0xa5: {  	s26 =	simm.s32 $execute0_lowered;
	[smem:$0x3FD2] =	sst s25  }
0xa6: {  	s4 =	sshll.u32 s26, $0x1;
	_ =	strace $0x80000049;
	[dreg:$0x1] =	wrdreg $0xFFFFFFFF  }
0xa7: {  	s28 =	simm.s32 $_size_execute0_lowered;
	s2 =	sadd.s32 s2, s4;
	[dreg:$0x0] =	wrdreg $0x0  }
0xa8: {  	s4 =	sshll.u32 s28, $0x1;
	[dreg:$0x2] =	wrdreg s2  }
0xa9: {  	[dreg:$0x3] =	wrdreg s4  }
0xaa: {  	[dreg:$0x4] =	wrdreg $0xC0  }
0xab: {  	_ =	task [dreg:s6], $0x5FFFF  }
0xac: {  	[dreg:$0x1] =	wrdreg $0xFFFFFFFF  }
0xad: {  	[dreg:$0x0] =	wrdreg $0x60  }
0xae: {  	[dreg:$0x2] =	wrdreg s24  }
0xaf: {  	[dreg:$0x3] =	wrdreg $0x7F000  }
0xb0: {  	[dreg:$0x4] =	wrdreg $0x9  }
0xb1: {  	_ =	task.clear_ibuf [dreg:s6], $0x5FFFF;
	_ =	strace $0x90000049  }
0xb2: {  	s29 =	simm.s32 $0x9;
	_ =	strace $0x8000004B  }
0xb3: {  	_ =	swait.ge [sflag:s29], $0x1  }
0xb4: {  	[sflag:s29] =	ssyncadd.s32 $0xFFFFFFFF  }
0xb5: {  	_ =	strace $0x9000004B  }
0xb6: {  	_ =	sfence  }
0xb7: {  	s30 =	sld [smem:$0x0];
	_ =	sdelay $0x2  }
0xb8: {  	s31 =	sshll.u32 s1, $0xD;
	s1 =	sshrl.u32 s1, $0x2  }
0xb9: {  	s3 =	sand.u32 $0x4000, s31;
	s1 =	sadd.s32 s1, s30  }
0xba: {  	s0 =	sor.u32 s3, s0;
	s1 =	sshll.u32 s1, $0x11  }
0xbb: {  	s0 =	sor.u32 s1, s0  }
0xbc: {  	s0 =	sadd.s32 $0x8F2B, s0  }
0xbd: {  	[sflag:s0] =	ssyncadd.remote.s32 $0x1  }
0xbe: {  	_ =	sfence.sel $0xFFFF  }
0xbf: {  	[dreg:$0x0] =	wrdreg $0xFFFFFFFF;
	(pc) =	sbr.abs _section_cstart, $3  }
0xc0: {  	[dreg:$0x1] =	wrdreg $0xFFFFFFFF  }
0xc1: {  	_ =	task.clear_ibuf [dreg:s6], $0x2FFFF;
	_ =	strace $0x9FFFFFFF  }
0xc2: {  	(tm) =	ssettm $0x7FFFFFFF  }
0xc3: {  	_ =	shalt  }
tec
execute0_lowered:
.L_overlay_start_1:
0x0: {  	(tag) =	ssettag $0x1  }
0x1: {  	s0 =	rddreg [dreg:$0x0]  }
0x2: {  	s2 =	rddreg [dreg:$0x1]  }
0x3: {  	s3 =	simm.s32 $0x0;
	s18 =	stileid.u32;
	s5 =	srdreg.scid  }
0x4: {  	s16 =	simm.s32 $0xE;
	s19 =	simm.s32 $0x80;
	s20 =	simm.s32 $0x4F00  }
0x5: {  	s28 =	simm.s32 $0x6F00;
	s30 =	simm.s32 $0x7700;
	s31 =	simm.s32 $0x1  }
0x6: {  	[smem:$0x7FF] =	sst s3;
	s1 =	smul.u32 $0x2700, s18;
	s4 =	sadd.s32 $0x15800, s0  }
0x7: {  	s5 =	sand.u32 $0x1, s5;
	s7 =	sadd.s32 $0xBA00, s0;
	s11 =	sadd.s32 $0x1C00, s0  }
0x8: {  	s12 =	sadd.s32 $0x1A800, s0;
	s21 =	sshll.u32 s18, $0x1;
	s22 =	sshll.u32 s18, $0x6  }
0x9: {  	s17 =	sadd.s32 $0x27000, s2;
	p0 =	sne.s32 s18, $0xF;
	p1 =	sgt.u32 s18, $0x1  }
0xa: {  	s18 =	simm.s32 $0x9;
	_ =	strace $0x8000004A;
	s8 =	ssub.s32 $0x2, s5  }
0xb: {  	s10 =	sor.u32 s5, s21;
	s24 =	smul.u32 $0x27100, s5;
	s17 =	sshrl.u32 @!p0 s17, $0x3  }
0xc: {  	s21 =	simm.s32 $0x5;
	s6 =	sshrl.u32 s1, $0x3;
	s9 =	sshrl.u32 s8, $0x1  }
0xd: {  	s15 =	sadd.s32 s1, s2;
	s23 =	smul.u32 $0x4E0, s10;
	s29 =	sshll.u32 s10, $0x4  }
0xe: {  	s6 =	sadd.s32 s6, s0;
	s14 =	ssub.s32 s8, s9;
	s0 =	sadd.s32 $0x68A00, s0  }
0xf: {  	s5 =	sor.u32 $0x9C00, s29;
	s1 =	sadd.s32 s1, s24;
	s15 =	sshrl.u32 s15, $0x3  }
0x10: {  	s6 =	sadd.s32 $0x63C00, s6;
	[dreg:$0x4] =	wrdreg s0;
	s25 =	sadd.s32 s7, s23  }
0x11: {  	s26 =	sadd.s32 s11, s23;
	s0 =	sshrl.u32 s24, $0x3;
	s7 =	sadd.s32 s7, s5  }
0x12: {  	s1 =	sshrl.u32 s1, $0x3;
	s5 =	sadd.s32 s11, s5;
	[dreg:$0x3] =	wrdreg s6  }
0x13: {  	s14 =	smax.u32 s14, $0x1;
	s23 =	simm.s32 $0x5F00;
	[dreg:$0x5] =	wrdreg s25  }
.Ltmp0:
0x14: {  	s24 =	simm.s32 $0x6;
	[dreg:$0x6] =	wrdreg s26;
	(pc) =	sbr.rel .LBB2_1-.Ltmp0, $4  }
0x15: {  	s6 =	sor.u32 $0x1C0E, s22;
	[dreg:$0x7] =	wrdreg s7;
	s0 =	sadd.s32 s12, s0  }
0x16: {  	[dreg:$0x8] =	wrdreg s5;
	s1 =	sadd.s32 s12, s1;
	s22 =	simm.s32 $0xB  }
0x17: {  	s25 =	simm.s32 $0xC;
	s26 =	simm.s32 $0x0;
	[dreg:$0x9] =	wrdreg s1  }
0x18: {  	s13 =	sadd.s32 $0x4E00, s0;
	s0 =	simm.s32 $0x7;
	s1 =	simm.s32 $0x3  }
.LBB2_4:
0x19: {  	_ =	swait.ge [sflag:s24], $0x800  }
0x1a: {  	[sflag:s24] =	ssyncset.done $0x0  }
0x1b: {  	[sflag:s24] =	ssyncadd.s32 $0xFFFFF800  }
0x1c: {  	[spmem:s2] =	stream.indirect.scatter.add.f32 [tilespmem:s30], [sflag:$0xC], $0x10, s7, s19, $0xb8;
	[tilespmem:$0xA610] =	vst v63  }
0x1d: {  	_ =	swait.ge [sflag:s25], $0x800  }
0x1e: {  	s5 =	simm.s32 @!p1 $0x0;
	[sflag:s25] =	ssyncset.done $0x0  }
0x1f: {  	s7 =	simm.s32 @!p1 $0x4E00;
	s8 =	rddreg [dreg:$0x7];
	[sflag:s25] =	ssyncadd.s32 $0xFFFFF800  }
0x20: {  	[tilespmem:s7], [sflag:$0xE] =	stream.linear.gather @!p1 [hbm4b:s8+s5], $0x80, $0x38;
	[tilespmem:$0xA610] =	vst v63  }
0x21: {  	s8 =	simm.s32 @!p1 $0xE  }
0x22: {  	_ =	swait.ge @!p1 [sflag:s8], $0x80  }
0x23: {  	[sflag:s8] =	ssyncset.done @!p1 $0x0  }
0x24: {  	s9 =	simm.s32 @!p1 $0x4E80;
	s10 =	rddreg [dreg:$0x8];
	[sflag:s8] =	ssyncadd.s32 @!p1 $0xFFFFFF80  }
0x25: {  	[tilespmem:s9], [sflag:$0xE] =	stream.linear.gather @!p1 [hbm4b:s10+s5], $0x80, $0x38;
	[tilespmem:$0xA610] =	vst v63  }
0x26: {  	_ =	swait.ge @!p1 [sflag:s8], $0x80  }
0x27: {  	[sflag:s8] =	ssyncset.done @!p1 $0x0  }
0x28: {  	s5 =	simm.s32 @!p1 $0x80;
	s10 =	simm.s32 @!p1 $0x4F00;
	[sflag:s8] =	ssyncadd.s32 @!p1 $0xFFFFFF80  }
0x29: {  	[tilespmem:s10], [sflag:$0xD] =	stream.indirect.gather @!p1 [hbm4b:s4+s5], $0x10, s7, s5, $0xb8;
	[tilespmem:$0xA610] =	vst v63  }
0x2a: {  	s7 =	simm.s32 @!p1 $0xD  }
0x2b: {  	_ =	swait.ge @!p1 [sflag:s7], $0x800  }
0x2c: {  	[sflag:s7] =	ssyncset.done @!p1 $0x0  }
0x2d: {  	[sflag:s7] =	ssyncadd.s32 @!p1 $0xFFFFF800  }
0x2e: {  	[spmem:s2] =	stream.indirect.scatter.add.f32 @!p1 [tilespmem:s10], [sflag:$0xE], $0x10, s9, s5, $0xb8;
	[tilespmem:$0xA610] =	vst v63  }
0x2f: {  	_ =	swait.ge @!p1 [sflag:s8], $0x800  }
0x30: {  	[sflag:s8] =	ssyncset.done @!p1 $0x0  }
0x31: {  	[sflag:s8] =	ssyncadd.s32 @!p1 $0xFFFFF800  }
0x32: {  	[bflag:$0x0] =	sbarrier.arrive $0xFFFF  }
0x33: {  	s29 =	rddreg [dreg:$0x9]  }
0x34: {  	[hbm:s29], [sflag:s6] =	dma.local [spmem:s15], $0x4E0  }
0x35: {  	s26 =	sadd.s32 $0x1, s26;
	_ =	swait.ge [sflag:s16], $0x4E0  }
0x36: {  	p2 =	sne.s32 s26, s14;
	[sflag:s16] =	ssyncset.done $0x0  }
.Ltmp1:
0x37: {  	s5 =	simm.s32 @!p0 $0xE;
	[sflag:s16] =	ssyncadd.s32 $0xFFFFFB20;
	(pc) =	sbr.rel @!p2 .LBB2_5-.Ltmp1, $4  }
0x38: {  	[hbm:s13], [sflag:s6] =	dma.local @!p0 [spmem:s17], $0x20  }
0x39: {  	_ =	swait.ge @!p0 [sflag:s5], $0x20  }
0x3a: {  	[sflag:s5] =	ssyncset.done @!p0 $0x0  }
0x3b: {  	[sflag:s5] =	ssyncadd.s32 @!p0 $0xFFFFFFE0  }
.LBB2_1:
0x3c: {  	s5 =	rddreg [dreg:$0x3]  }
0x3d: {  	[spmem:s15], [sflag:s6] =	dma.local [hbm:s5], $0x4E0  }
0x3e: {  	_ =	swait.ge [sflag:s16], $0x4E0  }
0x3f: {  	[sflag:s16] =	ssyncset.done $0x0  }
0x40: {  	s5 =	rddreg [dreg:$0x4];
	[sflag:s16] =	ssyncadd.s32 $0xFFFFFB20  }
0x41: {  	[spmem:s17], [sflag:s6] =	dma.local @!p0 [hbm:s5], $0x20  }
0x42: {  	s5 =	simm.s32 @!p0 $0xE  }
0x43: {  	_ =	swait.ge @!p0 [sflag:s5], $0x20  }
0x44: {  	[sflag:s5] =	ssyncset.done @!p0 $0x0  }
0x45: {  	s11 =	rddreg [dreg:$0x5];
	[sflag:s5] =	ssyncadd.s32 @!p0 $0xFFFFFFE0  }
0x46: {  	[tilespmem:s3], [sflag:$0xE] =	stream.linear.gather [hbm4b:s11+s3], $0x2700, $0x38;
	[tilespmem:$0xA610] =	vst v63  }
0x47: {  	_ =	swait.ge [sflag:s16], $0x2700  }
0x48: {  	[sflag:s16] =	ssyncset.done $0x0  }
0x49: {  	s7 =	simm.s32 $0x2700;
	s12 =	rddreg [dreg:$0x6];
	[sflag:s16] =	ssyncadd.s32 $0xFFFFD900  }
0x4a: {  	[tilespmem:s7], [sflag:$0xE] =	stream.linear.gather [hbm4b:s12+s3], $0x2700, $0x38;
	[tilespmem:$0xA610] =	vst v63  }
0x4b: {  	_ =	swait.ge [sflag:s16], $0x2700  }
0x4c: {  	[sflag:s16] =	ssyncset.done $0x0  }
0x4d: {  	[sflag:s16] =	ssyncadd.s32 $0xFFFFD900  }
0x4e: {  	[bflag:$0x0] =	sbarrier.arrive $0xFFFF  }
0x4f: {  	[tilespmem:s20], [sflag:$0x1] =	stream.indirect.gather [hbm4b:s4+s19], $0x10, s3, s19, $0xb8;
	[tilespmem:$0xA610] =	vst v63  }
0x50: {  	s7 =	simm.s32 $0x5700  }
0x51: {  	[tilespmem:s7], [sflag:$0x2] =	stream.indirect.gather [hbm4b:s4+s19], $0x10, s19, s19, $0xb8;
	[tilespmem:$0xA610] =	vst v63  }
0x52: {  	s8 =	simm.s32 $0x100  }
0x53: {  	[tilespmem:s23], [sflag:$0x3] =	stream.indirect.gather [hbm4b:s4+s19], $0x10, s8, s19, $0xb8;
	[tilespmem:$0xA610] =	vst v63  }
0x54: {  	s9 =	simm.s32 $0x180;
	s10 =	simm.s32 $0x6700  }
0x55: {  	[tilespmem:s10], [sflag:$0x4] =	stream.indirect.gather [hbm4b:s4+s19], $0x10, s9, s19, $0xb8;
	[tilespmem:$0xA610] =	vst v63  }
0x56: {  	s11 =	simm.s32 $0x200  }
0x57: {  	[tilespmem:s28], [sflag:$0x5] =	stream.indirect.gather [hbm4b:s4+s19], $0x10, s11, s19, $0xb8;
	[tilespmem:$0xA610] =	vst v63  }
0x58: {  	s29 =	simm.s32 $0x0;
	s12 =	simm.s32 $0x280  }
0x59: {  	[tilespmem:s30], [sflag:$0x6] =	stream.indirect.gather [hbm4b:s4+s19], $0x10, s12, s19, $0xb8;
	[tilespmem:$0xA610] =	vst v63  }
.LBB2_2:
0x5a: {  	_ =	swait.ge [sflag:s31], $0x800  }
0x5b: {  	s5 =	sshra.s32 s29, $0x2;
	[sflag:s31] =	ssyncset.done $0x0  }
0x5c: {  	s7 =	sadd.s32 $0x2700, s5;
	[sflag:s31] =	ssyncadd.s32 $0xFFFFF800  }
0x5d: {  	[spmem:s2] =	stream.indirect.scatter.add.f32 [tilespmem:s20], [sflag:$0x7], $0x10, s7, s19, $0xb8;
	[tilespmem:$0xA610] =	vst v63  }
0x5e: {  	_ =	swait.ge [sflag:s0], $0x800  }
0x5f: {  	p2 =	seq.s32 s29, $0x9000;
	[sflag:s0] =	ssyncset.done $0x0  }
0x60: {  	s7 =	simm.s32 @p2 $0x2;
	[sflag:s0] =	ssyncadd.s32 $0xFFFFF800  }
0x61: {  	_ =	swait.ge @p2 [sflag:s7], $0x800  }
0x62: {  	[sflag:s7] =	ssyncset.done @p2 $0x0  }
0x63: {  	[sflag:s7] =	ssyncadd.s32 @p2 $0xFFFFF800;
	s7 =	sshra.s32 @p2 s29, $0x2  }
0x64: {  	s9 =	simm.s32 @p2 $0x80;
	s10 =	simm.s32 @p2 $0x5700;
	s8 =	sadd.s32 @p2 $0x2780, s7  }
0x65: {  	[spmem:s2] =	stream.indirect.scatter.add.f32 @p2 [tilespmem:s10], [sflag:$0x8], $0x10, s8, s9, $0xb8;
	[tilespmem:$0xA610] =	vst v63  }
0x66: {  	s8 =	simm.s32 @p2 $0x8  }
0x67: {  	_ =	swait.ge @p2 [sflag:s8], $0x800  }
0x68: {  	[sflag:s8] =	ssyncset.done @p2 $0x0  }
0x69: {  	[sflag:s8] =	ssyncadd.s32 @p2 $0xFFFFF800;
	s8 =	sshra.s32 @!p2 s29, $0x2  }
0x6a: {  	s11 =	simm.s32 @!p2 $0x80;
	s12 =	simm.s32 @!p2 $0x4F00;
	s10 =	sadd.s32 @!p2 $0x300, s8  }
0x6b: {  	[tilespmem:s12], [sflag:$0x1] =	stream.indirect.gather @!p2 [hbm4b:s4+s11], $0x10, s10, s11, $0xb8;
	[tilespmem:$0xA610] =	vst v63  }
0x6c: {  	s10 =	simm.s32 @!p2 $0x2  }
0x6d: {  	_ =	swait.ge @!p2 [sflag:s10], $0x800  }
0x6e: {  	[sflag:s10] =	ssyncset.done @!p2 $0x0  }
0x6f: {  	s12 =	simm.s32 @!p2 $0x5700;
	[sflag:s10] =	ssyncadd.s32 @!p2 $0xFFFFF800;
	s10 =	sadd.s32 @!p2 $0x2780, s8  }
0x70: {  	[spmem:s2] =	stream.indirect.scatter.add.f32 @!p2 [tilespmem:s12], [sflag:$0x8], $0x10, s10, s11, $0xb8;
	[tilespmem:$0xA610] =	vst v63  }
0x71: {  	s10 =	simm.s32 @!p2 $0x8  }
0x72: {  	_ =	swait.ge @!p2 [sflag:s10], $0x800  }
0x73: {  	[sflag:s10] =	ssyncset.done @!p2 $0x0  }
0x74: {  	[sflag:s10] =	ssyncadd.s32 @!p2 $0xFFFFF800;
	s10 =	sadd.s32 @!p2 $0x380, s8  }
0x75: {  	[tilespmem:s12], [sflag:$0x2] =	stream.indirect.gather @!p2 [hbm4b:s4+s11], $0x10, s10, s11, $0xb8;
	[tilespmem:$0xA610] =	vst v63  }
0x76: {  	_ =	swait.ge [sflag:s1], $0x800  }
0x77: {  	[sflag:s1] =	ssyncset.done $0x0  }
0x78: {  	s12 =	sadd.s32 $0x2800, s5;
	[sflag:s1] =	ssyncadd.s32 $0xFFFFF800  }
0x79: {  	[spmem:s2] =	stream.indirect.scatter.add.f32 [tilespmem:s23], [sflag:$0x9], $0x10, s12, s19, $0xb8;
	[tilespmem:$0xA610] =	vst v63  }
0x7a: {  	_ =	swait.ge [sflag:s18], $0x800  }
0x7b: {  	[sflag:s18] =	ssyncset.done $0x0  }
0x7c: {  	s10 =	simm.s32 @p2 $0x4;
	[sflag:s18] =	ssyncadd.s32 $0xFFFFF800  }
0x7d: {  	_ =	swait.ge @p2 [sflag:s10], $0x800  }
0x7e: {  	[sflag:s10] =	ssyncset.done @p2 $0x0  }
0x7f: {  	s7 =	sadd.s32 @p2 $0x2880, s7;
	[sflag:s10] =	ssyncadd.s32 @p2 $0xFFFFF800;
	s10 =	simm.s32 @p2 $0x6700  }
0x80: {  	[spmem:s2] =	stream.indirect.scatter.add.f32 @p2 [tilespmem:s10], [sflag:$0xA], $0x10, s7, s9, $0xb8;
	[tilespmem:$0xA610] =	vst v63  }
0x81: {  	s7 =	simm.s32 @p2 $0xA  }
0x82: {  	_ =	swait.ge @p2 [sflag:s7], $0x800  }
0x83: {  	[sflag:s7] =	ssyncset.done @p2 $0x0  }
0x84: {  	s9 =	simm.s32 @!p2 $0x5F00;
	[sflag:s7] =	ssyncadd.s32 @p2 $0xFFFFF800;
	s7 =	sadd.s32 @!p2 $0x400, s8  }
0x85: {  	[tilespmem:s9], [sflag:$0x3] =	stream.indirect.gather @!p2 [hbm4b:s4+s11], $0x10, s7, s11, $0xb8;
	[tilespmem:$0xA610] =	vst v63  }
0x86: {  	s7 =	simm.s32 @!p2 $0x4  }
0x87: {  	_ =	swait.ge @!p2 [sflag:s7], $0x800  }
0x88: {  	[sflag:s7] =	ssyncset.done @!p2 $0x0  }
0x89: {  	s9 =	simm.s32 @!p2 $0x6700;
	[sflag:s7] =	ssyncadd.s32 @!p2 $0xFFFFF800;
	s7 =	sadd.s32 @!p2 $0x2880, s8  }
0x8a: {  	[spmem:s2] =	stream.indirect.scatter.add.f32 @!p2 [tilespmem:s9], [sflag:$0xA], $0x10, s7, s11, $0xb8;
	[tilespmem:$0xA610] =	vst v63  }
0x8b: {  	s7 =	simm.s32 @!p2 $0xA  }
0x8c: {  	_ =	swait.ge @!p2 [sflag:s7], $0x800  }
0x8d: {  	[sflag:s7] =	ssyncset.done @!p2 $0x0  }
0x8e: {  	[sflag:s7] =	ssyncadd.s32 @!p2 $0xFFFFF800;
	s7 =	sadd.s32 @!p2 $0x480, s8  }
0x8f: {  	[tilespmem:s9], [sflag:$0x4] =	stream.indirect.gather @!p2 [hbm4b:s4+s11], $0x10, s7, s11, $0xb8;
	[tilespmem:$0xA610] =	vst v63  }
0x90: {  	_ =	swait.ge [sflag:s21], $0x800  }
0x91: {  	[sflag:s21] =	ssyncset.done $0x0  }
.Ltmp2:
0x92: {  	s12 =	sadd.s32 $0x2900, s5;
	[sflag:s21] =	ssyncadd.s32 $0xFFFFF800;
	(pc) =	sbr.rel @p2 .LBB2_4-.Ltmp2, $4  }
0x93: {  	[spmem:s2] =	stream.indirect.scatter.add.f32 [tilespmem:s28], [sflag:$0xB], $0x10, s12, s19, $0xb8;
	[tilespmem:$0xA610] =	vst v63  }
0x94: {  	_ =	swait.ge [sflag:s22], $0x800  }
0x95: {  	[sflag:s22] =	ssyncset.done $0x0  }
0x96: {  	s7 =	sadd.s32 $0x2980, s5;
	[sflag:s22] =	ssyncadd.s32 $0xFFFFF800  }
0x97: {  	s8 =	sadd.s32 $0x500, s5  }
0x98: {  	[tilespmem:s28], [sflag:$0x5] =	stream.indirect.gather [hbm4b:s4+s19], $0x10, s8, s19, $0xb8;
	[tilespmem:$0xA610] =	vst v63  }
0x99: {  	_ =	swait.ge [sflag:s24], $0x800  }
0x9a: {  	[sflag:s24] =	ssyncset.done $0x0  }
0x9b: {  	[sflag:s24] =	ssyncadd.s32 $0xFFFFF800  }
0x9c: {  	[spmem:s2] =	stream.indirect.scatter.add.f32 [tilespmem:s30], [sflag:$0xC], $0x10, s7, s19, $0xb8;
	[tilespmem:$0xA610] =	vst v63  }
.Ltmp3:
0x9d: {  	_ = 	snop;
	(pc) =	sbr.rel .LBB2_2-.Ltmp3, $4  }
0x9e: {  	_ =	swait.ge [sflag:s25], $0x800  }
0x9f: {  	[sflag:s25] =	ssyncset.done $0x0  }
0xa0: {  	s12 =	sadd.s32 $0x580, s5;
	s29 =	sadd.s32 $0xC00, s29;
	[sflag:s25] =	ssyncadd.s32 $0xFFFFF800  }
0xa1: {  	[tilespmem:s30], [sflag:$0x6] =	stream.indirect.gather [hbm4b:s4+s19], $0x10, s12, s19, $0xb8;
	[tilespmem:$0xA610] =	vst v63  }
.LBB2_5:
0xa2: {  	_ =	sfence.sel $0x180000  }
0xa3: {  	[bflag:$0x0] =	sbarrier.arrive $0xFFFF  }
0xa4: {  	_ =	strace $0x9000004A  }
0xa5: {  	s0 =	stileid.u32;
	[bflag:$0x2] =	sbarrier.arrive $0xFFFF  }
0xa6: {  	p0 =	sne.s32 s0, $0x0;
	s0 =	rddreg [dreg:$0x2]  }
0xa7: {  	s0 =	sadd.s32 @!p0 $0x100000, s0  }
0xa8: {  	[sflag:s0] =	ssyncadd.tile.s32 @!p0 $0x1;
	_ =	shalt  }
.Lfunc_end2:
_tile_overlayer_lowered:
.L_overlay_start_2:
0xa9: {  	(tag) =	ssettag $0x2  }
0xaa: {  	s0 =	rddreg [dreg:$0x0];
	s2 =	stileid.u32  }
0xab: {  	s1 =	rddreg [dreg:$0x1];
	p0 =	sne.s32 s2, $0x0  }
0xac: {  	s3 =	rddreg [dreg:$0x2];
	[bflag:$0x3] =	sbarrier.arrive $0xFFFF;
	s2 =	simm.s32 @!p0 $0x1C0E  }
0xad: {  	[timem:s3], [sflag:s2] =	dma.local @!p0 [hbm:s0], s1  }
0xae: {  	s0 =	simm.s32 @!p0 $0xE  }
0xaf: {  	_ =	swait.ge @!p0 [sflag:s0], s1  }
0xb0: {  	s1 =	ssub.s32 @!p0 $0x0, s1;
	[sflag:s0] =	ssyncset.done @!p0 $0x0  }
0xb1: {  	[sflag:s0] =	ssyncadd.s32 @!p0 s1  }
0xb2: {  	[bflag:$0x3] =	sbarrier.arrive $0xFFFF  }
0xb3: {  	_ =	shalt  }

// kernel: kernel.7.cloned.1.call-start
scs
__scs_entry_jumppad:
0x0: {  	(pc) =	sbr.rel $0x88, $3  }
0x1: {  	(tag) =	ssettag $0x0;
	lr =	simm.s32 $0x1  }
0x2: {  	[smem:$0x3F99] =	sst lr;
	_ =	strace $0xD0000000  }
0x3: {  	_ = 	snop  }
0x4: {  	_ = 	snop  }
0x5: {  	_ = 	snop  }
0x6: {  	_ = 	snop  }
0x7: {  	_ = 	snop  }
__scs_overlays_trampoline_lowered:
0x8: {  	[smem:$0x3FA8] =	sst s0  }
0x9: {  	[smem:$0x3FA9] =	sst s1  }
0xa: {  	[smem:$0x3FAA] =	sst s2  }
0xb: {  	[smem:$0x3FAB] =	sst s3  }
0xc: {  	[smem:$0x3FAC] =	sst s4  }
0xd: {  	[smem:$0x3FAD] =	sst s5  }
0xe: {  	[smem:$0x3FAE] =	sst s6  }
0xf: {  	[smem:$0x3FAF] =	sst s7  }
0x10: {  	[smem:$0x3FB0] =	sst s8  }
0x11: {  	[smem:$0x3FB1] =	sst s9;
	s0 =	simm.s32 @!p0 $0x0  }
0x12: {  	s1 =	sld [smem:$0x3F97];
	s0 =	simm.s32 @p0 $0x1  }
0x13: {  	[smem:$0x3FB2] =	sst s0;
	s0 =	simm.s32 @!p1 $0x0  }
0x14: {  	s2 =	sld [smem:$0x3F96];
	s0 =	simm.s32 @p1 $0x1  }
0x15: {  	[smem:$0x3FB3] =	sst s0;
	s0 =	simm.s32 @!p2 $0x0  }
0x16: {  	s3 =	sld [smem:$0x3FDB];
	s0 =	simm.s32 @p2 $0x1  }
0x17: {  	s4 =	simm.s32 $0x1BF5;
	[smem:$0x3FB5] =	sst s0  }
0x18: {  	s0 =	sld [smem:$0x3F98];
	_ =	swait.ge [sflag:s4], $0x0  }
0x19: {  	s7 =	sld [smem:$0x3F99]  }
0x1a: {  	s8 =	sadd.s32 $0xFFFFE003, lr  }
0x1b: {  	s9 =	sadd.s32 $0xFFFFFEF7, lr;
	s5 =	simm.s32 $0xFFFFFFFF;
	p2 =	slt.u32 s8, $0xFFFFF086  }
0x1c: {  	p1 =	slt.u32 s9, $0xF7A;
	s5 =	simm.s32 @!p2 $0x0  }
0x1d: {  	s5 =	simm.s32 @p1 $0x1;
	p0 =	seq.s32 s7, s2  }
0x1e: {  	s7 =	smul.u32 @!p0 $0xF7A, s2;
	p2 =	seq.s32 @!p0 s5, $0x0  }
0x1f: {  	s9 =	smul.u32 $0xF7A, s1;
	s8 =	simm.s32 @!p0 $0x1BF5;
	p2 =	por !p2, p0  }
0x20: {  	[sflag:s8] =	ssyncset.s32 @!p0 $0xFFFFF086;
	s6 =	sadd.s32 @!p0 s3, s7;
	s7 =	simm.s32 @!p0 $0x108  }
0x21: {  	s3 =	sadd.s32 s3, s9;
	s6 =	sadd.s32 @!p0 $0x88, s6;
	s7 =	simm.s32 @p2 $0x1082  }
0x22: {  	[simem:s7], [sflag:s8] =	dma.local @!p0 [hbm:s6], $0xF7A  }
0x23: {  	s9 =	sor.u32 $0xD0000000, s2;
	s6 =	simm.s32 $0x108;
	_ =	swait.ge @!p0 [sflag:s8], $0x0  }
0x24: {  	s3 =	sadd.s32 $0x88, s3;
	s6 =	simm.s32 @!p1 $0x1082;
	[sflag:s4] =	ssyncset.s32 $0xFFFFF086  }
0x25: {  	[simem:s6], [sflag:s4] =	dma.local [hbm:s3], $0xF7A  }
0x26: {  	[smem:$0x3F99] =	sst s1;
	(tag) =	ssettag s2;
	_ =	strace s9  }
0x27: {  	s1 =	sld [smem:$0x3FA9]  }
0x28: {  	s2 =	sld [smem:$0x3FAA]  }
0x29: {  	s4 =	sld [smem:$0x3FAC]  }
0x2a: {  	p0 =	seq.s32 s5, $0x0;
	s5 =	sld [smem:$0x3FAD]  }
0x2b: {  	s6 =	sld [smem:$0x3FAE]  }
0x2c: {  	s7 =	sld [smem:$0x3FAF]  }
0x2d: {  	s3 =	simm.s32 $0x108;
	s8 =	sld [smem:$0x3FB0]  }
0x2e: {  	s3 =	simm.s32 @!p0 $0x1082;
	s9 =	sld [smem:$0x3FB1]  }
0x2f: {  	lr =	sadd.s32 s0, s3;
	s0 =	sld [smem:$0x3FA8]  }
0x30: {  	s3 =	sld [smem:$0x3FAB]  }
0x31: {  	[smem:$0x3FB4] =	sst s10  }
0x32: {  	s10 =	sld [smem:$0x3FB2];
	_ =	sdelay $0x3  }
0x33: {  	p0 =	seq.s32 s10, $0x1;
	s10 =	sld [smem:$0x3FB4];
	_ =	sdelay $0x3  }
0x34: {  	[smem:$0x3FB4] =	sst s10  }
0x35: {  	s10 =	sld [smem:$0x3FB3];
	_ =	sdelay $0x3  }
0x36: {  	p1 =	seq.s32 s10, $0x1;
	s10 =	sld [smem:$0x3FB4];
	_ =	sdelay $0x3  }
0x37: {  	[smem:$0x3FB4] =	sst s10  }
0x38: {  	s10 =	sld [smem:$0x3FB5]  }
0x39: {  	_ = 	snop;
	(pc) =	sbr.ind lr, $3  }
0x3a: {  	_ = 	snop  }
0x3b: {  	_ = 	snop  }
0x3c: {  	p2 =	seq.s32 s10, $0x1;
	s10 =	sld [smem:$0x3FB4]  }
0x3d: {  	_ =	shalt  }
0x3e: {  	_ =	shalt  }
0x3f: {  	_ =	shalt  }
0x40: {  	_ =	shalt  }
0x41: {  	_ =	shalt  }
0x42: {  	_ =	shalt  }
0x43: {  	_ =	shalt  }
0x44: {  	_ =	shalt  }
0x45: {  	_ =	shalt  }
0x46: {  	_ =	shalt  }
0x47: {  	_ =	shalt  }
0x48: {  	_ =	shalt  }
0x49: {  	_ =	shalt  }
0x4a: {  	_ =	shalt  }
0x4b: {  	_ =	shalt  }
0x4c: {  	_ =	shalt  }
0x4d: {  	_ =	shalt  }
0x4e: {  	_ =	shalt  }
0x4f: {  	_ =	shalt  }
0x50: {  	_ =	shalt  }
0x51: {  	_ =	shalt  }
0x52: {  	_ =	shalt  }
0x53: {  	_ =	shalt  }
0x54: {  	_ =	shalt  }
0x55: {  	_ =	shalt  }
0x56: {  	_ =	shalt  }
0x57: {  	_ =	shalt  }
0x58: {  	_ =	shalt  }
0x59: {  	_ =	shalt  }
0x5a: {  	_ =	shalt  }
0x5b: {  	_ =	shalt  }
0x5c: {  	_ =	shalt  }
0x5d: {  	_ =	shalt  }
0x5e: {  	_ =	shalt  }
0x5f: {  	_ =	shalt  }
0x60: {  	_ =	shalt  }
0x61: {  	_ =	shalt  }
0x62: {  	_ =	shalt  }
0x63: {  	_ =	shalt  }
0x64: {  	_ =	shalt  }
0x65: {  	_ =	shalt  }
0x66: {  	_ =	shalt  }
0x67: {  	_ =	shalt  }
0x68: {  	_ =	shalt  }
0x69: {  	_ =	shalt  }
0x6a: {  	_ =	shalt  }
0x6b: {  	_ =	shalt  }
0x6c: {  	_ =	shalt  }
0x6d: {  	_ =	shalt  }
0x6e: {  	_ =	shalt  }
0x6f: {  	_ =	shalt  }
0x70: {  	_ =	shalt  }
0x71: {  	_ =	shalt  }
0x72: {  	_ =	shalt  }
0x73: {  	_ =	shalt  }
0x74: {  	_ =	shalt  }
0x75: {  	_ =	shalt  }
0x76: {  	_ =	shalt  }
0x77: {  	_ =	shalt  }
0x78: {  	_ =	shalt  }
0x79: {  	_ =	shalt  }
0x7a: {  	_ =	shalt  }
0x7b: {  	_ =	shalt  }
0x7c: {  	_ =	shalt  }
0x7d: {  	_ =	shalt  }
0x7e: {  	_ =	shalt  }
0x7f: {  	_ =	shalt  }
0x80: {  	_ =	shalt  }
0x81: {  	_ =	shalt  }
0x82: {  	_ =	shalt  }
0x83: {  	_ =	shalt  }
0x84: {  	_ =	shalt  }
0x85: {  	_ =	shalt  }
0x86: {  	_ =	shalt  }
0x87: {  	_ =	shalt  }
.Lfunc_end0:
.L_simem_size_0:
called_computation_lowered:
.L_overlay_start_0:
0x88: {  	s2 =	sld [smem:$0x3FD9]  }
0x89: {  	s3 =	sld [smem:$0x3FFE];
	_ =	sdelay $0x1  }
0x8a: {  	s1 =	srdreg.scid  }
0x8b: {  	s0 =	sand.u32 $0x1, s1  }
0x8c: {  	s17 =	sshll.u32 s0, $0xA;
	s2 =	sadd.s32 s3, s2  }
0x8d: {  	s2 =	sadd.s32 s2, s17  }
0x8e: {  	[smem:$0x3FC0] =	sst s2  }
0x8f: {  	_ = 	snop  }
0x90: {  	s2 =	sld [smem:$0x3FD0];
	(tm) =	ssettm $0x1  }
0x91: {  	s18 =	sld [smem:$0x3FFB];
	_ =	sdelay $0x3  }
0x92: {  	_ =	strace s18  }
0x93: {  	s3 =	sld [smem:$0x3FFC];
	_ =	sdelay $0x3  }
0x94: {  	_ =	strace s3  }
0x95: {  	s3 =	sld [smem:$0x3FFD];
	_ =	sdelay $0x3  }
0x96: {  	_ =	strace s3  }
0x97: {  	_ =	strace $0x8FFFFFFF  }
0x98: {  	s19 =	sld [smem:$0x3FDB];
	_ =	sdelay $0x1  }
0x99: {  	s4 =	simm.s32 $_scs_section_size  }
0x9a: {  	s5 =	simm.s32 $_size__tile_overlayer_lowered;
	s6 =	simm.s32 $_tile_overlayer_lowered  }
0x9b: {  	s22 =	simm.s32 $0x1BFF;
	s21 =	sshll.u32 s6, $0x1;
	s3 =	sadd.s32 s4, s19  }
0x9c: {  	s7 =	simm.s32 $0x0;
	s20 =	sshll.u32 s5, $0x1;
	s5 =	sadd.s32 s21, s3  }
0x9d: {  	[timem:s7], [sflag:s22] =	dma.local [hbm:s5], s20  }
0x9e: {  	_ =	swait.ge [sflag:s22], s20  }
0x9f: {  	s4 =	ssub.s32 $0x0, s20;
	[sflag:s22] =	ssyncset.done $0x0  }
0xa0: {  	[sflag:s22] =	ssyncadd.s32 s4;
	_ =	sdelay $0x1  }
0xa1: {  	s23 =	simm.s32 $0x1B8B  }
0xa2: {  	_ =	swait.ge [sflag:s23], $0x1  }
0xa3: {  	[sflag:s23] =	ssyncset.done $0x0  }
0xa4: {  	s25 =	simm.s32 $0x1B8E;
	s24 =	sld [smem:$0x3FFE];
	[sflag:s23] =	ssyncadd.s32 $0xFFFFFFFF  }
0xa5: {  	s26 =	simm.s32 $execute0_lowered;
	[smem:$0x3FD2] =	sst s25  }
0xa6: {  	s5 =	sshll.u32 s26, $0x1;
	_ =	strace $0x80000046;
	[dreg:$0x1] =	wrdreg $0xFFFFFFFF  }
0xa7: {  	s28 =	simm.s32 $_size_execute0_lowered;
	s3 =	sadd.s32 s3, s5;
	[dreg:$0x0] =	wrdreg $0x0  }
0xa8: {  	s5 =	sshll.u32 s28, $0x1;
	[dreg:$0x2] =	wrdreg s3  }
0xa9: {  	[dreg:$0x3] =	wrdreg s5  }
0xaa: {  	[dreg:$0x4] =	wrdreg $0xC0  }
0xab: {  	_ =	task [dreg:s7], $0x5FFFF  }
0xac: {  	[dreg:$0x1] =	wrdreg $0xFFFFFFFF  }
0xad: {  	[dreg:$0x0] =	wrdreg $0x60  }
0xae: {  	[dreg:$0x2] =	wrdreg s24  }
0xaf: {  	[dreg:$0x3] =	wrdreg s2  }
0xb0: {  	[dreg:$0x4] =	wrdreg $0x8A000  }
0xb1: {  	[dreg:$0x5] =	wrdreg $0x1C2800  }
0xb2: {  	[dreg:$0x6] =	wrdreg $0x9  }
0xb3: {  	_ =	task.clear_ibuf [dreg:s7], $0x7FFFF;
	_ =	strace $0x90000046  }
0xb4: {  	s29 =	simm.s32 $0x9;
	_ =	strace $0x80000048  }
0xb5: {  	_ =	swait.ge [sflag:s29], $0x1  }
0xb6: {  	[sflag:s29] =	ssyncadd.s32 $0xFFFFFFFF  }
0xb7: {  	_ =	strace $0x90000048  }
0xb8: {  	_ =	sfence  }
0xb9: {  	s30 =	sld [smem:$0x0];
	_ =	sdelay $0x2  }
0xba: {  	s31 =	sshll.u32 s1, $0xD;
	s1 =	sshrl.u32 s1, $0x2  }
0xbb: {  	s3 =	sand.u32 $0x4000, s31;
	s1 =	sadd.s32 s1, s30  }
0xbc: {  	s0 =	sor.u32 s3, s0;
	s1 =	sshll.u32 s1, $0x11  }
0xbd: {  	s0 =	sor.u32 s1, s0  }
0xbe: {  	s0 =	sadd.s32 $0x8F2B, s0  }
0xbf: {  	[sflag:s0] =	ssyncadd.remote.s32 $0x1  }
0xc0: {  	_ =	sfence.sel $0xFFFF  }
0xc1: {  	[dreg:$0x0] =	wrdreg $0xFFFFFFFF;
	(pc) =	sbr.abs _section_cstart, $3  }
0xc2: {  	[dreg:$0x1] =	wrdreg $0xFFFFFFFF  }
0xc3: {  	_ =	task.clear_ibuf [dreg:s7], $0x2FFFF;
	_ =	strace $0x9FFFFFFF  }
0xc4: {  	(tm) =	ssettm $0x7FFFFFFF  }
0xc5: {  	_ =	shalt  }
tec
execute0_lowered:
.L_overlay_start_1:
0x0: {  	(tag) =	ssettag $0x1  }
0x1: {  	s0 =	rddreg [dreg:$0x0]  }
0x2: {  	s2 =	rddreg [dreg:$0x2]  }
0x3: {  	s4 =	rddreg [dreg:$0x3];
	s5 =	simm.s32 $0x0  }
0x4: {  	s20 =	stileid.u32;
	s8 =	srdreg.scid;
	s30 =	simm.s32 $0x9  }
0x5: {  	s31 =	simm.s32 $0x8200;
	[smem:$0x7FF] =	sst s5;
	s3 =	smul.u32 $0x13800, s20  }
0x6: {  	s1 =	sadd.s32 $0xBA00, s0;
	s6 =	sadd.s32 $0x1C00, s0;
	s7 =	smul.u32 $0x2700, s20  }
0x7: {  	s8 =	sand.u32 $0x1, s8;
	s10 =	sshll.u32 s20, $0x1;
	s13 =	sadd.s32 $0x68C00, s0  }
0x8: {  	s16 =	sadd.s32 $0xB6E00, s0;
	s26 =	smul.u32 $0x9C0, s20;
	p0 =	sne.s32 s20, $0xF  }
0x9: {  	p1 =	sgt.u32 s20, $0x1;
	_ =	strace $0x80000047;
	s28 =	smul.u32 $0x138800, s8  }
0xa: {  	s12 =	ssub.s32 $0x2, s8;
	s10 =	sor.u32 s8, s10;
	s18 =	smul.u32 $0x27100, s8  }
0xb: {  	s8 =	smul.u32 $0x4E0, s8;
	s9 =	sshrl.u32 s3, $0x3;
	s11 =	sshrl.u32 s7, $0x3  }
0xc: {  	s14 =	sshrl.u32 s12, $0x1;
	s15 =	smul.u32 $0x4E0, s10;
	s10 =	sshll.u32 s10, $0x4  }
0xd: {  	s12 =	ssub.s32 s12, s14;
	s22 =	sadd.s32 s3, s28;
	s23 =	sadd.s32 s7, s18  }
0xe: {  	s10 =	sor.u32 $0x9C00, s10;
	s14 =	sshrl.u32 s28, $0x3;
	s25 =	sshrl.u32 s18, $0x3  }
0xf: {  	s9 =	sadd.s32 s9, s0;
	s11 =	sadd.s32 s11, s0;
	s18 =	sshll.u32 s20, $0x6  }
0x10: {  	s3 =	sadd.s32 s3, s2;
	s20 =	simm.s32 $0x0;
	s17 =	sadd.s32 s1, s15  }
0x11: {  	s29 =	sor.u32 $0x10, s15;
	s15 =	sadd.s32 s6, s15;
	[dreg:$0xd] =	wrdreg s3  }
0x12: {  	s28 =	sadd.s32 s16, s25;
	s3 =	simm.s32 $0x80;
	[dreg:$0x5] =	wrdreg s17  }
0x13: {  	[dreg:$0x6] =	wrdreg s15;
	s19 =	sadd.s32 s1, s29;
	s21 =	sadd.s32 s6, s29  }
0x14: {  	s15 =	sshrl.u32 s22, $0x3;
	s17 =	sshrl.u32 s23, $0x3;
	[dreg:$0x7] =	wrdreg s19  }
0x15: {  	s29 =	sadd.s32 s1, s10;
	s10 =	sadd.s32 s6, s10;
	[dreg:$0x8] =	wrdreg s21  }
0x16: {  	s1 =	sadd.s32 s26, s1;
	s6 =	sadd.s32 s26, s6;
	[dreg:$0xb] =	wrdreg s29  }
0x17: {  	s22 =	sadd.s32 $0x63C00, s11;
	s23 =	sadd.s32 $0x63A00, s0;
	[dreg:$0xc] =	wrdreg s10  }
0x18: {  	s25 =	sadd.s32 $0x4E00, s28;
	s26 =	smax.u32 s12, $0x1;
	[dreg:$0x10] =	wrdreg s22  }
0x19: {  	s28 =	sadd.s32 $0x138000, s2;
	s11 =	simm.s32 $0x7;
	[dreg:$0x11] =	wrdreg s23  }
0x1a: {  	s12 =	simm.s32 $0x1;
	s15 =	sadd.s32 s13, s15;
	[dreg:$0x14] =	wrdreg s25  }
0x1b: {  	s24 =	sadd.s32 s16, s17;
	s13 =	sadd.s32 s13, s14;
	[dreg:$0x15] =	wrdreg s26  }
0x1c: {  	s14 =	sadd.s32 $0x15800, s0;
	s16 =	sadd.s32 s8, s6;
	[dreg:$0x16] =	wrdreg s28  }
0x1d: {  	s19 =	sadd.s32 $0x3CA00, s9;
	s21 =	sadd.s32 s7, s4;
	[dreg:$0x9] =	wrdreg s15  }
0x1e: {  	s0 =	sadd.s32 $0x68A00, s0;
	s29 =	sadd.s32 $0x27000, s4;
	[dreg:$0xa] =	wrdreg s24  }
0x1f: {  	s6 =	simm.s32 $0x180;
	s7 =	simm.s32 $0x2;
	[dreg:$0xe] =	wrdreg s19  }
0x20: {  	s9 =	simm.s32 $0x3;
	s10 =	simm.s32 $0x5;
	[dreg:$0xf] =	wrdreg s21  }
0x21: {  	s17 =	simm.s32 $0x6;
	s15 =	sadd.s32 s8, s1;
	[dreg:$0x12] =	wrdreg s0  }
0x22: {  	s19 =	sor.u32 $0x1C09, s18;
	s24 =	sadd.s32 $0x27000, s13;
	[dreg:$0x17] =	wrdreg s29  }
0x23: {  	s0 =	simm.s32 $0x100;
	s1 =	simm.s32 $0x200;
	s8 =	simm.s32 $0x4200  }
0x24: {  	s13 =	simm.s32 $0x4;
	s18 =	simm.s32 $0x8;
	[dreg:$0x13] =	wrdreg s24  }
.LBB2_1:
0x25: {  	s21 =	rddreg [dreg:$0xd]  }
0x26: {  	s25 =	rddreg [dreg:$0xe];
	s22 =	sshrl.u32 s21, $0x3  }
0x27: {  	[dreg:$0x18] =	wrdreg s22  }
0x28: {  	[spmem:s22], [sflag:s19] =	dma.local [hbm:s25], $0x2700  }
0x29: {  	_ =	swait.ge [sflag:s30], $0x2700  }
0x2a: {  	[sflag:s30] =	ssyncset.done $0x0;
	s26 =	rddreg [dreg:$0xf]  }
0x2b: {  	s28 =	rddreg [dreg:$0x10];
	[sflag:s30] =	ssyncadd.s32 $0xFFFFD900;
	s22 =	sshrl.u32 s26, $0x3  }
0x2c: {  	[spmem:s22], [sflag:s19] =	dma.local [hbm:s28], $0x4E0  }
0x2d: {  	_ =	swait.ge [sflag:s30], $0x4E0  }
0x2e: {  	s25 =	simm.s32 @!p0 $0x9;
	[sflag:s30] =	ssyncset.done $0x0;
	s21 =	rddreg [dreg:$0x16]  }
0x2f: {  	[sflag:s30] =	ssyncadd.s32 $0xFFFFFB20;
	s23 =	sshrl.u32 @!p0 s21, $0x3;
	s21 =	rddreg [dreg:$0x11]  }
0x30: {  	[spmem:s23], [sflag:s19] =	dma.local @!p0 [hbm:s21], $0x100  }
0x31: {  	_ =	swait.ge @!p0 [sflag:s25], $0x100  }
0x32: {  	[sflag:s25] =	ssyncset.done @!p0 $0x0;
	s21 =	rddreg [dreg:$0x17]  }
0x33: {  	[sflag:s25] =	ssyncadd.s32 @!p0 $0xFFFFFF00;
	s24 =	sshrl.u32 @!p0 s21, $0x3;
	s21 =	rddreg [dreg:$0x12]  }
0x34: {  	[spmem:s24], [sflag:s19] =	dma.local @!p0 [hbm:s21], $0x20  }
0x35: {  	_ =	swait.ge @!p0 [sflag:s25], $0x20  }
0x36: {  	[sflag:s25] =	ssyncset.done @!p0 $0x0  }
0x37: {  	[sflag:s25] =	ssyncadd.s32 @!p0 $0xFFFFFFE0  }
0x38: {  	s29 =	rddreg [dreg:$0x1]  }
0x39: {  	[tilespmem:s31], [sflag:$0x9] =	stream.linear.gather [hbm4b:s29+s5], $0x800, $0x38;
	[tilespmem:$0x1E990] =	vst v63  }
0x3a: {  	_ =	swait.ge [sflag:s30], $0x800  }
0x3b: {  	[sflag:s30] =	ssyncset.done $0x0  }
0x3c: {  	[sflag:s30] =	ssyncadd.s32 $0xFFFFF800  }
0x3d: {  	[bflag:$0x0] =	sbarrier.arrive $0xFFFF  }
0x3e: {  	s25 =	rddreg [dreg:$0x5]  }
0x3f: {  	[tilespmem:s5], [sflag:$0x9] =	stream.linear.gather [hbm4b:s25+s5], $0x80, $0x38;
	[tilespmem:$0x1E990] =	vst v63  }
0x40: {  	_ =	swait.ge [sflag:s30], $0x80  }
0x41: {  	[sflag:s30] =	ssyncset.done $0x0  }
0x42: {  	s26 =	rddreg [dreg:$0x6];
	[sflag:s30] =	ssyncadd.s32 $0xFFFFFF80  }
0x43: {  	[tilespmem:s0], [sflag:$0x9] =	stream.linear.gather [hbm4b:s26+s5], $0x80, $0x38;
	[tilespmem:$0x1E990] =	vst v63  }
0x44: {  	_ =	swait.ge [sflag:s30], $0x80  }
0x45: {  	[sflag:s30] =	ssyncset.done $0x0  }
0x46: {  	[sflag:s30] =	ssyncadd.s32 $0xFFFFFF80  }
0x47: {  	[tilespmem:s1], [sflag:$0x3] =	stream.indirect.gather [hbm4b:s14+s3], $0x80, s5, s3, $0xb8;
	[tilespmem:$0x1E990] =	vst v63  }
0x48: {  	s28 =	rddreg [dreg:$0x7]  }
0x49: {  	[tilespmem:s3], [sflag:$0x2] =	stream.linear.gather [hbm4b:s28+s5], $0x80, $0x38;
	[tilespmem:$0x1E990] =	vst v63  }
0x4a: {  	s29 =	rddreg [dreg:$0x8]  }
0x4b: {  	[tilespmem:s6], [sflag:$0x2] =	stream.linear.gather [hbm4b:s29+s5], $0x80, $0x38;
	[tilespmem:$0x1E990] =	vst v63  }
0x4c: {  	_ =	swait.ge [sflag:s7], $0x80  }
0x4d: {  	[sflag:s7] =	ssyncset.done $0x0  }
0x4e: {  	[sflag:s7] =	ssyncadd.s32 $0xFFFFFF80  }
0x4f: {  	_ =	swait.ge [sflag:s7], $0x80  }
0x50: {  	[sflag:s7] =	ssyncset.done $0x0  }
0x51: {  	[sflag:s7] =	ssyncadd.s32 $0xFFFFFF80  }
0x52: {  	[tilespmem:s8], [sflag:$0x4] =	stream.indirect.gather [hbm4b:s14+s3], $0x80, s3, s3, $0xb8;
	[tilespmem:$0x1E990] =	vst v63  }
0x53: {  	_ =	swait.ge [sflag:s9], $0x4000  }
0x54: {  	[sflag:s9] =	ssyncset.done $0x0  }
0x55: {  	[sflag:s9] =	ssyncadd.s32 $0xFFFFC000  }
0x56: {  	[spmem:s2] =	stream.indirect.scatter.add.f32 [tilespmem:s1], [sflag:$0x5], $0x80, s0, s3, $0xb8;
	[tilespmem:$0x1E990] =	vst v63  }
0x57: {  	_ = 	snop  }
0x58: {  	[spmem:s4] =	stream.indirect.scatter.add.f32 [tilespmem:s31], [sflag:$0x7], $0x10, s0, s3, $0xb8;
	[tilespmem:$0x1E990] =	vst v63  }
0x59: {  	_ =	swait.ge [sflag:s10], $0x4000  }
0x5a: {  	[sflag:s10] =	ssyncset.done $0x0  }
0x5b: {  	[sflag:s10] =	ssyncadd.s32 $0xFFFFC000  }
0x5c: {  	_ =	swait.ge [sflag:s11], $0x800  }
0x5d: {  	s21 =	sadd.s32 $0x0, s15;
	[sflag:s11] =	ssyncset.done $0x0  }
0x5e: {  	s26 =	sadd.s32 $0x20, s21;
	s28 =	sadd.s32 $0x0, s16;
	[sflag:s11] =	ssyncadd.s32 $0xFFFFF800  }
0x5f: {  	[tilespmem:s5], [sflag:$0x1] =	stream.linear.gather [hbm4b:s26+s5], $0x80, $0x38;
	[tilespmem:$0x1E990] =	vst v63  }
0x60: {  	s29 =	sadd.s32 $0x20, s28  }
0x61: {  	[tilespmem:s0], [sflag:$0x1] =	stream.linear.gather [hbm4b:s29+s5], $0x80, $0x38;
	[tilespmem:$0x1E990] =	vst v63  }
0x62: {  	_ =	swait.ge [sflag:s12], $0x80  }
0x63: {  	[sflag:s12] =	ssyncset.done $0x0  }
0x64: {  	[sflag:s12] =	ssyncadd.s32 $0xFFFFFF80  }
0x65: {  	_ =	swait.ge [sflag:s12], $0x80  }
0x66: {  	[sflag:s12] =	ssyncset.done $0x0  }
0x67: {  	[sflag:s12] =	ssyncadd.s32 $0xFFFFFF80  }
0x68: {  	[tilespmem:s1], [sflag:$0x3] =	stream.indirect.gather [hbm4b:s14+s3], $0x80, s5, s3, $0xb8;
	[tilespmem:$0x1E990] =	vst v63  }
0x69: {  	_ =	swait.ge [sflag:s13], $0x4000  }
0x6a: {  	[sflag:s13] =	ssyncset.done $0x0  }
0x6b: {  	[sflag:s13] =	ssyncadd.s32 $0xFFFFC000  }
0x6c: {  	[spmem:s2] =	stream.indirect.scatter.add.f32 [tilespmem:s8], [sflag:$0x6], $0x80, s6, s3, $0xb8;
	[tilespmem:$0x1E990] =	vst v63  }
0x6d: {  	_ = 	snop  }
0x6e: {  	[spmem:s4] =	stream.indirect.scatter.add.f32 [tilespmem:s31], [sflag:$0x8], $0x10, s6, s3, $0xb8;
	[tilespmem:$0x1E990] =	vst v63  }
0x6f: {  	_ =	swait.ge [sflag:s17], $0x4000  }
0x70: {  	[sflag:s17] =	ssyncset.done $0x0  }
0x71: {  	[sflag:s17] =	ssyncadd.s32 $0xFFFFC000  }
0x72: {  	_ =	swait.ge [sflag:s18], $0x800  }
0x73: {  	[sflag:s18] =	ssyncset.done $0x0  }
0x74: {  	s25 =	sadd.s32 $0x30, s21;
	[sflag:s18] =	ssyncadd.s32 $0xFFFFF800  }
0x75: {  	[tilespmem:s3], [sflag:$0x2] =	stream.linear.gather [hbm4b:s25+s5], $0x80, $0x38;
	[tilespmem:$0x1E990] =	vst v63  }
0x76: {  	s26 =	sadd.s32 $0x30, s28;
	s25 =	simm.s32 $0x20  }
.LBB2_2:
0x77: {  	[tilespmem:s6], [sflag:$0x2] =	stream.linear.gather [hbm4b:s26+s5], $0x80, $0x38;
	[tilespmem:$0x1E990] =	vst v63  }
0x78: {  	s26 =	smov.u32 s25  }
0x79: {  	p2 =	sne.s32 s25, $0x4A0;
	s25 =	sadd.s32 $0x20, s25;
	_ =	swait.ge [sflag:s7], $0x80  }
0x7a: {  	[sflag:s7] =	ssyncset.done $0x0  }
0x7b: {  	[sflag:s7] =	ssyncadd.s32 $0xFFFFFF80  }
0x7c: {  	_ =	swait.ge [sflag:s7], $0x80  }
0x7d: {  	[sflag:s7] =	ssyncset.done $0x0  }
0x7e: {  	[sflag:s7] =	ssyncadd.s32 $0xFFFFFF80  }
0x7f: {  	[tilespmem:s8], [sflag:$0x4] =	stream.indirect.gather [hbm4b:s14+s3], $0x80, s3, s3, $0xb8;
	[tilespmem:$0x1E990] =	vst v63  }
0x80: {  	_ =	swait.ge [sflag:s9], $0x4000  }
0x81: {  	[sflag:s9] =	ssyncset.done $0x0  }
0x82: {  	[sflag:s9] =	ssyncadd.s32 $0xFFFFC000  }
0x83: {  	[spmem:s2] =	stream.indirect.scatter.add.f32 [tilespmem:s1], [sflag:$0x5], $0x80, s0, s3, $0xb8;
	[tilespmem:$0x1E990] =	vst v63  }
0x84: {  	_ = 	snop  }
0x85: {  	[spmem:s4] =	stream.indirect.scatter.add.f32 [tilespmem:s31], [sflag:$0x7], $0x10, s0, s3, $0xb8;
	[tilespmem:$0x1E990] =	vst v63  }
0x86: {  	_ =	swait.ge [sflag:s10], $0x4000  }
0x87: {  	[sflag:s10] =	ssyncset.done $0x0  }
0x88: {  	[sflag:s10] =	ssyncadd.s32 $0xFFFFC000  }
0x89: {  	_ =	swait.ge [sflag:s11], $0x800  }
0x8a: {  	s28 =	sadd.s32 s26, s15;
	[sflag:s11] =	ssyncset.done $0x0  }
0x8b: {  	s26 =	sadd.s32 s26, s16;
	s29 =	sadd.s32 $0x20, s28;
	[sflag:s11] =	ssyncadd.s32 $0xFFFFF800  }
0x8c: {  	[tilespmem:s5], [sflag:$0x1] =	stream.linear.gather [hbm4b:s29+s5], $0x80, $0x38;
	[tilespmem:$0x1E990] =	vst v63  }
0x8d: {  	s29 =	sadd.s32 $0x20, s26  }
0x8e: {  	[tilespmem:s0], [sflag:$0x1] =	stream.linear.gather [hbm4b:s29+s5], $0x80, $0x38;
	[tilespmem:$0x1E990] =	vst v63  }
0x8f: {  	_ =	swait.ge [sflag:s12], $0x80  }
0x90: {  	[sflag:s12] =	ssyncset.done $0x0  }
0x91: {  	[sflag:s12] =	ssyncadd.s32 $0xFFFFFF80  }
0x92: {  	_ =	swait.ge [sflag:s12], $0x80  }
0x93: {  	[sflag:s12] =	ssyncset.done $0x0  }
0x94: {  	[sflag:s12] =	ssyncadd.s32 $0xFFFFFF80  }
0x95: {  	[tilespmem:s1], [sflag:$0x3] =	stream.indirect.gather [hbm4b:s14+s3], $0x80, s5, s3, $0xb8;
	[tilespmem:$0x1E990] =	vst v63  }
0x96: {  	_ =	swait.ge [sflag:s13], $0x4000  }
0x97: {  	[sflag:s13] =	ssyncset.done $0x0  }
0x98: {  	[sflag:s13] =	ssyncadd.s32 $0xFFFFC000  }
0x99: {  	[spmem:s2] =	stream.indirect.scatter.add.f32 [tilespmem:s8], [sflag:$0x6], $0x80, s6, s3, $0xb8;
	[tilespmem:$0x1E990] =	vst v63  }
0x9a: {  	_ = 	snop  }
0x9b: {  	[spmem:s4] =	stream.indirect.scatter.add.f32 [tilespmem:s31], [sflag:$0x8], $0x10, s6, s3, $0xb8;
	[tilespmem:$0x1E990] =	vst v63  }
0x9c: {  	_ =	swait.ge [sflag:s17], $0x4000  }
0x9d: {  	[sflag:s17] =	ssyncset.done $0x0  }
0x9e: {  	[sflag:s17] =	ssyncadd.s32 $0xFFFFC000  }
.Ltmp0:
0x9f: {  	_ =	swait.ge [sflag:s18], $0x800;
	(pc) =	sbr.rel @p2 .LBB2_2-.Ltmp0, $4  }
0xa0: {  	[sflag:s18] =	ssyncset.done $0x0  }
0xa1: {  	s28 =	sadd.s32 $0x30, s28;
	[sflag:s18] =	ssyncadd.s32 $0xFFFFF800  }
0xa2: {  	[tilespmem:s3], [sflag:$0x2] =	stream.linear.gather [hbm4b:s28+s5], $0x80, $0x38;
	[tilespmem:$0x1E990] =	vst v63  }
0xa3: {  	s26 =	sadd.s32 $0x30, s26  }
0xa4: {  	[tilespmem:s6], [sflag:$0x2] =	stream.linear.gather [hbm4b:s26+s5], $0x80, $0x38;
	[tilespmem:$0x1E990] =	vst v63  }
0xa5: {  	_ =	swait.ge [sflag:s7], $0x80  }
0xa6: {  	[sflag:s7] =	ssyncset.done $0x0  }
0xa7: {  	[sflag:s7] =	ssyncadd.s32 $0xFFFFFF80  }
0xa8: {  	_ =	swait.ge [sflag:s7], $0x80  }
0xa9: {  	[sflag:s7] =	ssyncset.done $0x0  }
0xaa: {  	[sflag:s7] =	ssyncadd.s32 $0xFFFFFF80  }
0xab: {  	[tilespmem:s8], [sflag:$0x4] =	stream.indirect.gather [hbm4b:s14+s3], $0x80, s3, s3, $0xb8;
	[tilespmem:$0x1E990] =	vst v63  }
0xac: {  	_ =	swait.ge [sflag:s9], $0x4000  }
0xad: {  	[sflag:s9] =	ssyncset.done $0x0  }
0xae: {  	[sflag:s9] =	ssyncadd.s32 $0xFFFFC000  }
0xaf: {  	[spmem:s2] =	stream.indirect.scatter.add.f32 [tilespmem:s1], [sflag:$0x5], $0x80, s0, s3, $0xb8;
	[tilespmem:$0x1E990] =	vst v63  }
0xb0: {  	_ = 	snop  }
0xb1: {  	[spmem:s4] =	stream.indirect.scatter.add.f32 [tilespmem:s31], [sflag:$0x7], $0x10, s0, s3, $0xb8;
	[tilespmem:$0x1E990] =	vst v63  }
0xb2: {  	_ =	swait.ge [sflag:s10], $0x4000  }
0xb3: {  	[sflag:s10] =	ssyncset.done $0x0  }
0xb4: {  	[sflag:s10] =	ssyncadd.s32 $0xFFFFC000  }
0xb5: {  	_ =	swait.ge [sflag:s11], $0x800  }
0xb6: {  	[sflag:s11] =	ssyncset.done $0x0  }
0xb7: {  	[sflag:s11] =	ssyncadd.s32 $0xFFFFF800  }
0xb8: {  	_ =	swait.ge [sflag:s13], $0x4000  }
0xb9: {  	[sflag:s13] =	ssyncset.done $0x0  }
0xba: {  	[sflag:s13] =	ssyncadd.s32 $0xFFFFC000  }
0xbb: {  	[spmem:s2] =	stream.indirect.scatter.add.f32 [tilespmem:s8], [sflag:$0x6], $0x80, s6, s3, $0xb8;
	[tilespmem:$0x1E990] =	vst v63  }
0xbc: {  	_ = 	snop  }
0xbd: {  	[spmem:s4] =	stream.indirect.scatter.add.f32 [tilespmem:s31], [sflag:$0x8], $0x10, s6, s3, $0xb8;
	[tilespmem:$0x1E990] =	vst v63  }
0xbe: {  	_ =	swait.ge [sflag:s17], $0x4000  }
0xbf: {  	[sflag:s17] =	ssyncset.done $0x0  }
0xc0: {  	[sflag:s17] =	ssyncadd.s32 $0xFFFFC000  }
0xc1: {  	_ =	swait.ge [sflag:s18], $0x800  }
0xc2: {  	s25 =	simm.s32 @!p1 $0x0;
	[sflag:s18] =	ssyncset.done $0x0  }
0xc3: {  	s26 =	simm.s32 @!p1 $0x9;
	s21 =	rddreg [dreg:$0xb];
	[sflag:s18] =	ssyncadd.s32 $0xFFFFF800  }
0xc4: {  	[tilespmem:s25], [sflag:$0x9] =	stream.linear.gather @!p1 [hbm4b:s21+s25], $0x80, $0x38;
	[tilespmem:$0x1E990] =	vst v63  }
0xc5: {  	_ =	swait.ge @!p1 [sflag:s26], $0x80  }
0xc6: {  	[sflag:s26] =	ssyncset.done @!p1 $0x0  }
0xc7: {  	s28 =	simm.s32 @!p1 $0x100;
	s21 =	rddreg [dreg:$0xc];
	[sflag:s26] =	ssyncadd.s32 @!p1 $0xFFFFFF80  }
0xc8: {  	[tilespmem:s28], [sflag:$0x9] =	stream.linear.gather @!p1 [hbm4b:s21+s25], $0x80, $0x38;
	[tilespmem:$0x1E990] =	vst v63  }
0xc9: {  	_ =	swait.ge @!p1 [sflag:s26], $0x80  }
0xca: {  	[sflag:s26] =	ssyncset.done @!p1 $0x0  }
0xcb: {  	s29 =	simm.s32 @!p1 $0x80;
	s21 =	simm.s32 @!p1 $0x200;
	[sflag:s26] =	ssyncadd.s32 @!p1 $0xFFFFFF80  }
0xcc: {  	[tilespmem:s21], [sflag:$0x3] =	stream.indirect.gather @!p1 [hbm4b:s14+s29], $0x80, s25, s29, $0xb8;
	[tilespmem:$0x1E990] =	vst v63  }
0xcd: {  	s25 =	simm.s32 @!p1 $0x3  }
0xce: {  	_ =	swait.ge @!p1 [sflag:s25], $0x4000  }
0xcf: {  	[sflag:s25] =	ssyncset.done @!p1 $0x0  }
0xd0: {  	[sflag:s25] =	ssyncadd.s32 @!p1 $0xFFFFC000  }
0xd1: {  	[spmem:s2] =	stream.indirect.scatter.add.f32 @!p1 [tilespmem:s21], [sflag:$0x9], $0x80, s28, s29, $0xb8;
	[tilespmem:$0x1E990] =	vst v63  }
0xd2: {  	_ =	swait.ge @!p1 [sflag:s26], $0x4000  }
0xd3: {  	[sflag:s26] =	ssyncset.done @!p1 $0x0  }
0xd4: {  	s21 =	simm.s32 @!p1 $0x8200;
	[sflag:s26] =	ssyncadd.s32 @!p1 $0xFFFFC000  }
0xd5: {  	[spmem:s4] =	stream.indirect.scatter.add.f32 @!p1 [tilespmem:s21], [sflag:$0x9], $0x10, s28, s29, $0xb8;
	[tilespmem:$0x1E990] =	vst v63  }
0xd6: {  	_ =	swait.ge @!p1 [sflag:s26], $0x800  }
0xd7: {  	[sflag:s26] =	ssyncset.done @!p1 $0x0  }
0xd8: {  	[sflag:s26] =	ssyncadd.s32 @!p1 $0xFFFFF800  }
0xd9: {  	[bflag:$0x0] =	sbarrier.arrive $0xFFFF  }
0xda: {  	s25 =	rddreg [dreg:$0x9]  }
0xdb: {  	s26 =	rddreg [dreg:$0x18]  }
0xdc: {  	[hbm:s25], [sflag:s19] =	dma.local [spmem:s26], $0x2700  }
0xdd: {  	_ =	swait.ge [sflag:s30], $0x2700  }
0xde: {  	[sflag:s30] =	ssyncset.done $0x0  }
0xdf: {  	s28 =	rddreg [dreg:$0xa];
	[sflag:s30] =	ssyncadd.s32 $0xFFFFD900  }
0xe0: {  	[hbm:s28], [sflag:s19] =	dma.local [spmem:s22], $0x4E0  }
0xe1: {  	_ =	swait.ge [sflag:s30], $0x4E0  }
0xe2: {  	[sflag:s30] =	ssyncset.done $0x0  }
0xe3: {  	s21 =	rddreg [dreg:$0x13];
	[sflag:s30] =	ssyncadd.s32 $0xFFFFFB20  }
0xe4: {  	[hbm:s21], [sflag:s19] =	dma.local @!p0 [spmem:s23], $0x100  }
0xe5: {  	s21 =	simm.s32 @!p0 $0x9  }
0xe6: {  	_ =	swait.ge @!p0 [sflag:s21], $0x100  }
0xe7: {  	[sflag:s21] =	ssyncset.done @!p0 $0x0  }
0xe8: {  	s22 =	rddreg [dreg:$0x14];
	[sflag:s21] =	ssyncadd.s32 @!p0 $0xFFFFFF00  }
0xe9: {  	[hbm:s22], [sflag:s19] =	dma.local @!p0 [spmem:s24], $0x20  }
0xea: {  	_ =	swait.ge @!p0 [sflag:s21], $0x20  }
0xeb: {  	s20 =	sadd.s32 $0x1, s20;
	s29 =	rddreg [dreg:$0x15]  }
0xec: {  	p2 =	sne.s32 s20, s29  }
.Ltmp1:
0xed: {  	_ = 	snop;
	(pc) =	sbr.rel @p2 .LBB2_1-.Ltmp1, $3  }
0xee: {  	_ =	sdelay $0x1  }
0xef: {  	[sflag:s21] =	ssyncset.done @!p0 $0x0  }
0xf0: {  	[sflag:s21] =	ssyncadd.s32 @!p0 $0xFFFFFFE0  }
0xf1: {  	_ =	sfence.sel $0x180000  }
0xf2: {  	[bflag:$0x0] =	sbarrier.arrive $0xFFFF  }
0xf3: {  	_ =	strace $0x90000047  }
0xf4: {  	s0 =	stileid.u32;
	[bflag:$0x2] =	sbarrier.arrive $0xFFFF  }
0xf5: {  	p0 =	sne.s32 s0, $0x0;
	s0 =	rddreg [dreg:$0x4]  }
0xf6: {  	s0 =	sadd.s32 @!p0 $0x100000, s0  }
0xf7: {  	[sflag:s0] =	ssyncadd.tile.s32 @!p0 $0x1;
	_ =	shalt  }
.Lfunc_end2:
_tile_overlayer_lowered:
.L_overlay_start_2:
0xf8: {  	(tag) =	ssettag $0x2  }
0xf9: {  	s0 =	rddreg [dreg:$0x0];
	s2 =	stileid.u32  }
0xfa: {  	s1 =	rddreg [dreg:$0x1];
	p0 =	sne.s32 s2, $0x0  }
0xfb: {  	s3 =	rddreg [dreg:$0x2];
	[bflag:$0x3] =	sbarrier.arrive $0xFFFF;
	s2 =	simm.s32 @!p0 $0x1C09  }
0xfc: {  	[timem:s3], [sflag:s2] =	dma.local @!p0 [hbm:s0], s1  }
0xfd: {  	s0 =	simm.s32 @!p0 $0x9  }
0xfe: {  	_ =	swait.ge @!p0 [sflag:s0], s1  }
0xff: {  	s1 =	ssub.s32 @!p0 $0x0, s1;
	[sflag:s0] =	ssyncset.done @!p0 $0x0  }
0x100: {  	[sflag:s0] =	ssyncadd.s32 @!p0 s1  }
0x101: {  	[bflag:$0x3] =	sbarrier.arrive $0xFFFF  }
0x102: {  	_ =	shalt  }

</sc_bundles>
